<compile_context>
chip_gen: v7x
topology: tpu7x:2x2x1
jax: 0.10.2.dev20260603
libtpu: 0.0.44.dev20260713+nightly
codegen_flags: <defaults>
</compile_context>

<pallas_src>
import functools

import jax
import jax.numpy as jnp
from jax import lax
from jax.experimental import pallas as pl
from jax.experimental.pallas import tpu as pltpu
from jax.experimental.pallas import tpu_sc as plsc

N_NODES = 10000
D = 128

NC = 2
NS = 16
NW = NC * NS

K = 64
NBUF = 3
N_TAB = 10240
ROWS_PER_TILE = N_TAB // NS


def _sc_body(ept, e_tot, x_hbm, ei_hbm, agg_out, deg_out,
             sidx_all, didx_all, rows, ones_v, degz_v, gsems, agg_sh, deg_sh):
    n_full = ept // K
    rem = ept % K
    n_ring = (n_full // NBUF) * NBUF

    c = lax.axis_index("c")
    s = lax.axis_index("s")
    wid = c * NS + s
    base = wid * ept

    zero16 = jnp.zeros((16,), jnp.float32)
    one16 = jnp.ones((16,), jnp.float32)

    pltpu.sync_copy(ei_hbm.at[pl.ds(base, ept)], sidx_all)
    pltpu.sync_copy(ei_hbm.at[pl.ds(e_tot + base, ept)], didx_all)

    def _zrow(i, _):
        for j in range(D // 16):
            rows[0, i, pl.ds(j * 16, 16)] = zero16
        return 0
    lax.fori_loop(0, K, _zrow, 0)

    for j in range(K // 16):
        ones_v[pl.ds(j * 16, 16)] = one16

    def _zdeg(i, _):
        degz_v[pl.ds(i * 16, 16)] = zero16
        return 0
    lax.fori_loop(0, ROWS_PER_TILE // 16, _zdeg, 0)

    for bblk in range(ROWS_PER_TILE // K):
        pltpu.sync_copy(rows.at[0],
                        agg_sh.at[pl.ds(s * ROWS_PER_TILE + bblk * K, K)])
    pltpu.sync_copy(degz_v, deg_sh.at[pl.ds(s * ROWS_PER_TILE, ROWS_PER_TILE)])

    plsc.subcore_barrier()

    for b in range(min(NBUF, n_ring)):
        pltpu.async_copy(x_hbm.at[sidx_all.at[pl.ds(b * K, K)]], rows.at[b],
                         gsems[b])

    def _outer(go, _):
        for b in range(NBUF):
            g = go * NBUF + b
            pltpu.make_async_copy(x_hbm.at[sidx_all.at[pl.ds(g * K, K)]],
                                  rows.at[b], gsems[b]).wait()
            pltpu.sync_copy(rows.at[b],
                            agg_sh.at[didx_all.at[pl.ds(g * K, K)]], add=True)
            pltpu.sync_copy(ones_v,
                            deg_sh.at[didx_all.at[pl.ds(g * K, K)]], add=True)

            @pl.when(g + NBUF < n_ring)
            def _refill():
                pltpu.async_copy(
                    x_hbm.at[sidx_all.at[pl.ds((g + NBUF) * K, K)]],
                    rows.at[b], gsems[b])
        return 0
    lax.fori_loop(0, n_ring // NBUF, _outer, 0)

    for g in range(n_ring, n_full):
        b = g - n_ring
        pltpu.sync_copy(x_hbm.at[sidx_all.at[pl.ds(g * K, K)]], rows.at[b])
        pltpu.sync_copy(rows.at[b],
                        agg_sh.at[didx_all.at[pl.ds(g * K, K)]], add=True)
        pltpu.sync_copy(ones_v,
                        deg_sh.at[didx_all.at[pl.ds(g * K, K)]], add=True)
    if rem:
        off = n_full * K
        pltpu.sync_copy(x_hbm.at[sidx_all.at[pl.ds(off, rem)]],
                        rows.at[0, pl.ds(0, rem)])
        pltpu.sync_copy(rows.at[0, pl.ds(0, rem)],
                        agg_sh.at[didx_all.at[pl.ds(off, rem)]], add=True)
        pltpu.sync_copy(ones_v.at[pl.ds(0, rem)],
                        deg_sh.at[didx_all.at[pl.ds(off, rem)]], add=True)

    plsc.subcore_barrier()

    pltpu.sync_copy(agg_sh.at[pl.ds(s * ROWS_PER_TILE, ROWS_PER_TILE)],
                    agg_out.at[c, pl.ds(s * ROWS_PER_TILE, ROWS_PER_TILE)])
    pltpu.sync_copy(deg_sh.at[pl.ds(s * ROWS_PER_TILE, ROWS_PER_TILE)],
                    deg_out.at[c, pl.ds(s * ROWS_PER_TILE, ROWS_PER_TILE)])


def _segment_mean_sc(x, edge_index, ept):
    e_tot = edge_index.size // 2
    mesh = plsc.VectorSubcoreMesh(core_axis_name="c", subcore_axis_name="s")
    return pl.kernel(
        functools.partial(_sc_body, ept, e_tot),
        out_type=(
            jax.ShapeDtypeStruct((NC, N_TAB, D), jnp.float32),
            jax.ShapeDtypeStruct((NC, N_TAB), jnp.float32),
        ),
        mesh=mesh,
        scratch_types=[
            pltpu.VMEM((ept,), jnp.int32),
            pltpu.VMEM((ept,), jnp.int32),
            pltpu.VMEM((NBUF, K, D), jnp.float32),
            pltpu.VMEM((K,), jnp.float32),
            pltpu.VMEM((ROWS_PER_TILE,), jnp.float32),
            [pltpu.SemaphoreType.DMA] * NBUF,
            pltpu.VMEM_SHARED((N_TAB, D), jnp.float32),
            pltpu.VMEM_SHARED((N_TAB,), jnp.float32),
        ],
        name="gcn_segment_mean_sc",
    )(x, edge_index.reshape(-1))


def _tc_body(agg_ref, deg_ref, w_ref, b_ref, out_ref):
    agg = agg_ref[0] + agg_ref[1]
    deg = deg_ref[0] + deg_ref[1]
    mean = agg / jnp.maximum(deg, 1.0)[:, None]
    out_ref[...] = (
        jnp.dot(mean, w_ref[...].T, preferred_element_type=jnp.float32)
        + b_ref[...]
    )


def _linear_tc(agg, deg, W, b):
    bs = 1024
    grid = (N_TAB // bs,)
    return pl.pallas_call(
        _tc_body,
        grid=grid,
        in_specs=[
            pl.BlockSpec((NC, bs, D), lambda i: (0, i, 0)),
            pl.BlockSpec((NC, bs), lambda i: (0, i)),
            pl.BlockSpec((D, D), lambda i: (0, 0)),
            pl.BlockSpec((1, D), lambda i: (0, 0)),
        ],
        out_specs=pl.BlockSpec((bs, D), lambda i: (i, 0)),
        out_shape=jax.ShapeDtypeStruct((N_TAB, D), jnp.float32),
    )(agg, deg, W, b.reshape(1, D))


def kernel(x, edge_index, W, b):
    e = edge_index.shape[1]
    extra = -e % NW
    if extra:
        ar = jnp.arange(extra, dtype=jnp.int32)
        padcols = jnp.stack(
            [ar % N_NODES, N_NODES + (ar % (N_TAB - N_NODES))])
        edge_index = jnp.concatenate([edge_index, padcols], axis=1)
        e += extra
    ept = e // NW
    agg, deg = _segment_mean_sc(x, edge_index, ept)
    out = _linear_tc(agg, deg, W, b)
    return out[:N_NODES]

# --- scband reference (transcript-rebuilt; emitter-appended) ---
"""Pipeline reference for scband-single-gcn-41394894798937 (READ-ONLY COPY).

The authoritative reference and input builder live on the scoring server;
editing this copy changes nothing except your own understanding.
"""

import jax, jax.numpy as jnp
import numpy as np

N_NODES = 10000
N_EDGES = 320000
D_IN = 128
D_OUT = 128


def setup_inputs(seed: int = 0) -> dict:
    key = jax.random.key(seed)
    k1, k2, k3, k4 = jax.random.split(key, 4)
    x = jax.random.normal(k1, (N_NODES, D_IN), dtype=jnp.float32)
    edge_index = jax.random.randint(k2, (2, N_EDGES), 0, N_NODES, dtype=jnp.int32)
    # Linear layer parameters (torch nn.Linear: out = x @ W.T + b)
    W = jax.random.normal(k3, (D_OUT, D_IN), dtype=jnp.float32) * 0.05
    b = jax.random.normal(k4, (D_OUT,), dtype=jnp.float32) * 0.05
    return {"x": x, "edge_index": edge_index, "W": W, "b": b}


def reference(x, edge_index, W, b):
    # Faithful translation of SingleGCN.forward on a DGLGraph:
    #   - dropout is computed into a local variable but never written back to
    #     ndata in the original code, so it has no effect on the result.
    #   - self.activation is constructed but never applied in gcn_node, so no ReLU.
    #   - update_all: msg = src['hidden']; reduce = mean over mailbox (incoming
    #     edges per dst node); node update = Linear(reduce).
    src = edge_index[0]
    dst = edge_index[1]
    msgs = jnp.take(x, src, axis=0)                                   # gather [E, D_IN]
    agg = jax.ops.segment_sum(msgs, dst, num_segments=N_NODES)       # scatter-add
    deg = jax.ops.segment_sum(jnp.ones((msgs.shape[0],), dtype=x.dtype), dst,
                              num_segments=N_NODES)
    mean = agg / jnp.clip(deg, 1.0)[:, None]                          # mailbox mean
    out = mean @ W.T + b                                              # full_conn
    return out

if __name__ == "__main__":
    import jax
    _d = setup_inputs()
    print(jax.jit(kernel)(*tuple(_d.values())))

</pallas_src>

<mosaic_0001>
#map = affine_map<(d0, d1) -> (0, 0)>
#map1 = affine_map<(d0, d1) -> (0)>
#map2 = affine_map<(d0, d1) -> (0, 0, 0)>
module attributes {stable_mosaic.version = 14 : i64} {
  func.func @gcn_segment_mean_sc(%arg0: i32, %arg1: i32, %arg2: memref<10000x128xf32, #tpu.memory_space<hbm>>, %arg3: memref<640000xi32, #tpu.memory_space<hbm>>, %arg4: memref<2x10240x128xf32, #tpu.memory_space<hbm>>, %arg5: memref<2x10240xf32, #tpu.memory_space<hbm>>, %arg6: memref<10000xi32, #tpu.memory_space<vmem>>, %arg7: memref<10000xi32, #tpu.memory_space<vmem>>, %arg8: memref<3x64x128xf32, #tpu.memory_space<vmem>>, %arg9: memref<64xf32, #tpu.memory_space<vmem>>, %arg10: memref<640xf32, #tpu.memory_space<vmem>>, %arg11: memref<!tpu.dma_semaphore, #tpu.memory_space<semaphore_mem>>, %arg12: memref<!tpu.dma_semaphore, #tpu.memory_space<semaphore_mem>>, %arg13: memref<!tpu.dma_semaphore, #tpu.memory_space<semaphore_mem>>, %arg14: memref<10240x128xf32, #tpu.memory_space<vmem_shared>>, %arg15: memref<10240xf32, #tpu.memory_space<vmem_shared>>) attributes {dimension_semantics = [#tpu.dimension_semantics<core_parallel>, #tpu.dimension_semantics<subcore_parallel>], iteration_bounds = array<i64: 2, 16>, scalar_prefetch = 0 : i64, scratch_operands = 10 : i64, tpu.core_type = #tpu.core_type<sc_vector_subcore>, window_params = [{transform_indices = #map}, {transform_indices = #map1}, {transform_indices = #map2}, {transform_indices = #map}]} {
    %mul3A = arith.constant 16 : i32
    %mul3A_0 = arith.muli %arg0, %mul3A : i32
    %add3A = arith.addi %mul3A_0, %arg1 : i32
    %mul3A_1 = arith.constant 10000 : i32
    %mul3A_2 = arith.muli %add3A, %mul3A_1 : i32
    %broadcast_in_dim3A = arith.constant 0.000000e+00 : f32
    %broadcast_in_dim3A_3 = vector.broadcast %broadcast_in_dim3A : f32 to vector<16xf32>
    %broadcast_in_dim3A_4 = arith.constant 1.000000e+00 : f32
    %broadcast_in_dim3A_5 = vector.broadcast %broadcast_in_dim3A_4 : f32 to vector<16xf32>
    "tpu.region"() ({
      %run_scoped3A_134 = tpu.sem_alloc : memref<!tpu.dma_semaphore, #tpu.memory_space<semaphore_mem>>
      %dma_start3A_135 = tpu.memref_slice %arg3[%mul3A_2] : memref<640000xi32, #tpu.memory_space<hbm>> -> memref<10000xi32, #tpu.memory_space<hbm>>
      %dma_start3A_136 = tpu.memref_slice %arg3[%mul3A_2] : memref<640000xi32, #tpu.memory_space<hbm>> -> memref<10000xi32, #tpu.memory_space<hbm>>
      tpu.enqueue_dma source(%dma_start3A_136 : memref<10000xi32, #tpu.memory_space<hbm>>) target(%arg6 : memref<10000xi32, #tpu.memory_space<vmem>>) target_semaphore(%run_scoped3A_134 : memref<!tpu.dma_semaphore, #tpu.memory_space<semaphore_mem>>)
      %dma_wait3A = tpu.memref_slice %arg3[%mul3A_2] : memref<640000xi32, #tpu.memory_space<hbm>> -> memref<10000xi32, #tpu.memory_space<hbm>>
      %dma_wait3A_137 = tpu.memref_slice %arg3[%mul3A_2] : memref<640000xi32, #tpu.memory_space<hbm>> -> memref<10000xi32, #tpu.memory_space<hbm>>
      tpu.wait_dma2 semaphore(%run_scoped3A_134 : memref<!tpu.dma_semaphore, #tpu.memory_space<semaphore_mem>>) src(%dma_wait3A_137 : memref<10000xi32, #tpu.memory_space<hbm>>) dst(%arg6 : memref<10000xi32, #tpu.memory_space<vmem>>)
      tpu.yield
    }) : () -> ()
    %add3A_6 = arith.constant 320000 : i32
    %add3A_7 = arith.addi %add3A_6, %mul3A_2 : i32
    "tpu.region"() ({
      %run_scoped3A_134 = tpu.sem_alloc : memref<!tpu.dma_semaphore, #tpu.memory_space<semaphore_mem>>
      %dma_start3A_135 = tpu.memref_slice %arg3[%add3A_7] : memref<640000xi32, #tpu.memory_space<hbm>> -> memref<10000xi32, #tpu.memory_space<hbm>>
      %dma_start3A_136 = tpu.memref_slice %arg3[%add3A_7] : memref<640000xi32, #tpu.memory_space<hbm>> -> memref<10000xi32, #tpu.memory_space<hbm>>
      tpu.enqueue_dma source(%dma_start3A_136 : memref<10000xi32, #tpu.memory_space<hbm>>) target(%arg7 : memref<10000xi32, #tpu.memory_space<vmem>>) target_semaphore(%run_scoped3A_134 : memref<!tpu.dma_semaphore, #tpu.memory_space<semaphore_mem>>)
      %dma_wait3A = tpu.memref_slice %arg3[%add3A_7] : memref<640000xi32, #tpu.memory_space<hbm>> -> memref<10000xi32, #tpu.memory_space<hbm>>
      %dma_wait3A_137 = tpu.memref_slice %arg3[%add3A_7] : memref<640000xi32, #tpu.memory_space<hbm>> -> memref<10000xi32, #tpu.memory_space<hbm>>
      tpu.wait_dma2 semaphore(%run_scoped3A_134 : memref<!tpu.dma_semaphore, #tpu.memory_space<semaphore_mem>>) src(%dma_wait3A_137 : memref<10000xi32, #tpu.memory_space<hbm>>) dst(%arg7 : memref<10000xi32, #tpu.memory_space<vmem>>)
      tpu.yield
    }) : () -> ()
    %scan3A = arith.constant 0 : i32
    %scan3A_8 = arith.constant 0 : i32
    %scan3A_9 = arith.constant 64 : i32
    %scan3A_10 = arith.addi %scan3A_8, %scan3A_9 : i32
    %scan3A_11 = arith.constant 1 : i32
    %scan3A_12 = scf.for %scan3A_134 = %scan3A_8 to %scan3A_10 step %scan3A_11 iter_args(%scan3A_135 = %scan3A) -> (i32)  : i32 {
      %swap3A_136 = arith.constant 0 : i32
      %swap3A_137 = arith.index_cast %swap3A_136 : i32 to index
      %swap3A_138 = arith.index_cast %scan3A_134 : i32 to index
      %swap3A_139 = arith.constant 0 : index
      %swap3A_140 = tpu.vector_load %arg8[%swap3A_137, %swap3A_138, %swap3A_139] {strides = array<i32>} : memref<3x64x128xf32, #tpu.memory_space<vmem>>, vector<1x1x16xf32>,
      %swap3A_141 = vector.shape_cast %swap3A_140 : vector<1x1x16xf32> to vector<16xf32>
      %swap3A_142 = vector.shape_cast %broadcast_in_dim3A_3 : vector<16xf32> to vector<1x1x16xf32>
      tpu.vector_store %arg8[%swap3A_137, %swap3A_138, %swap3A_139], %swap3A_142 {strides = array<i32>} : memref<3x64x128xf32, #tpu.memory_space<vmem>>, vector<1x1x16xf32>,
      %swap3A_143 = arith.constant 0 : i32
      %swap3A_144 = arith.index_cast %swap3A_143 : i32 to index
      %swap3A_145 = arith.index_cast %scan3A_134 : i32 to index
      %swap3A_146 = arith.constant 16 : index
      %swap3A_147 = tpu.vector_load %arg8[%swap3A_144, %swap3A_145, %swap3A_146] {strides = array<i32>} : memref<3x64x128xf32, #tpu.memory_space<vmem>>, vector<1x1x16xf32>,
      %swap3A_148 = vector.shape_cast %swap3A_147 : vector<1x1x16xf32> to vector<16xf32>
      %swap3A_149 = vector.shape_cast %broadcast_in_dim3A_3 : vector<16xf32> to vector<1x1x16xf32>
      tpu.vector_store %arg8[%swap3A_144, %swap3A_145, %swap3A_146], %swap3A_149 {strides = array<i32>} : memref<3x64x128xf32, #tpu.memory_space<vmem>>, vector<1x1x16xf32>,
      %swap3A_150 = arith.constant 0 : i32
      %swap3A_151 = arith.index_cast %swap3A_150 : i32 to index
      %swap3A_152 = arith.index_cast %scan3A_134 : i32 to index
      %swap3A_153 = arith.constant 32 : index
      %swap3A_154 = tpu.vector_load %arg8[%swap3A_151, %swap3A_152, %swap3A_153] {strides = array<i32>} : memref<3x64x128xf32, #tpu.memory_space<vmem>>, vector<1x1x16xf32>,
      %swap3A_155 = vector.shape_cast %swap3A_154 : vector<1x1x16xf32> to vector<16xf32>
      %swap3A_156 = vector.shape_cast %broadcast_in_dim3A_3 : vector<16xf32> to vector<1x1x16xf32>
      tpu.vector_store %arg8[%swap3A_151, %swap3A_152, %swap3A_153], %swap3A_156 {strides = array<i32>} : memref<3x64x128xf32, #tpu.memory_space<vmem>>, vector<1x1x16xf32>,
      %swap3A_157 = arith.constant 0 : i32
      %swap3A_158 = arith.index_cast %swap3A_157 : i32 to index
      %swap3A_159 = arith.index_cast %scan3A_134 : i32 to index
      %swap3A_160 = arith.constant 48 : index
      %swap3A_161 = tpu.vector_load %arg8[%swap3A_158, %swap3A_159, %swap3A_160] {strides = array<i32>} : memref<3x64x128xf32, #tpu.memory_space<vmem>>, vector<1x1x16xf32>,
      %swap3A_162 = vector.shape_cast %swap3A_161 : vector<1x1x16xf32> to vector<16xf32>
      %swap3A_163 = vector.shape_cast %broadcast_in_dim3A_3 : vector<16xf32> to vector<1x1x16xf32>
      tpu.vector_store %arg8[%swap3A_158, %swap3A_159, %swap3A_160], %swap3A_163 {strides = array<i32>} : memref<3x64x128xf32, #tpu.memory_space<vmem>>, vector<1x1x16xf32>,
      %swap3A_164 = arith.constant 0 : i32
      %swap3A_165 = arith.index_cast %swap3A_164 : i32 to index
      %swap3A_166 = arith.index_cast %scan3A_134 : i32 to index
      %swap3A_167 = arith.constant 64 : index
      %swap3A_168 = tpu.vector_load %arg8[%swap3A_165, %swap3A_166, %swap3A_167] {strides = array<i32>} : memref<3x64x128xf32, #tpu.memory_space<vmem>>, vector<1x1x16xf32>,
      %swap3A_169 = vector.shape_cast %swap3A_168 : vector<1x1x16xf32> to vector<16xf32>
      %swap3A_170 = vector.shape_cast %broadcast_in_dim3A_3 : vector<16xf32> to vector<1x1x16xf32>
      tpu.vector_store %arg8[%swap3A_165, %swap3A_166, %swap3A_167], %swap3A_170 {strides = array<i32>} : memref<3x64x128xf32, #tpu.memory_space<vmem>>, vector<1x1x16xf32>,
      %swap3A_171 = arith.constant 0 : i32
      %swap3A_172 = arith.index_cast %swap3A_171 : i32 to index
      %swap3A_173 = arith.index_cast %scan3A_134 : i32 to index
      %swap3A_174 = arith.constant 80 : index
      %swap3A_175 = tpu.vector_load %arg8[%swap3A_172, %swap3A_173, %swap3A_174] {strides = array<i32>} : memref<3x64x128xf32, #tpu.memory_space<vmem>>, vector<1x1x16xf32>,
      %swap3A_176 = vector.shape_cast %swap3A_175 : vector<1x1x16xf32> to vector<16xf32>
      %swap3A_177 = vector.shape_cast %broadcast_in_dim3A_3 : vector<16xf32> to vector<1x1x16xf32>
      tpu.vector_store %arg8[%swap3A_172, %swap3A_173, %swap3A_174], %swap3A_177 {strides = array<i32>} : memref<3x64x128xf32, #tpu.memory_space<vmem>>, vector<1x1x16xf32>,
      %swap3A_178 = arith.constant 0 : i32
      %swap3A_179 = arith.index_cast %swap3A_178 : i32 to index
      %swap3A_180 = arith.index_cast %scan3A_134 : i32 to index
      %swap3A_181 = arith.constant 96 : index
      %swap3A_182 = tpu.vector_load %arg8[%swap3A_179, %swap3A_180, %swap3A_181] {strides = array<i32>} : memref<3x64x128xf32, #tpu.memory_space<vmem>>, vector<1x1x16xf32>,
      %swap3A_183 = vector.shape_cast %swap3A_182 : vector<1x1x16xf32> to vector<16xf32>
      %swap3A_184 = vector.shape_cast %broadcast_in_dim3A_3 : vector<16xf32> to vector<1x1x16xf32>
      tpu.vector_store %arg8[%swap3A_179, %swap3A_180, %swap3A_181], %swap3A_184 {strides = array<i32>} : memref<3x64x128xf32, #tpu.memory_space<vmem>>, vector<1x1x16xf32>,
      %swap3A_185 = arith.constant 0 : i32
      %swap3A_186 = arith.index_cast %swap3A_185 : i32 to index
      %swap3A_187 = arith.index_cast %scan3A_134 : i32 to index
      %swap3A_188 = arith.constant 112 : index
      %swap3A_189 = tpu.vector_load %arg8[%swap3A_186, %swap3A_187, %swap3A_188] {strides = array<i32>} : memref<3x64x128xf32, #tpu.memory_space<vmem>>, vector<1x1x16xf32>,
      %swap3A_190 = vector.shape_cast %swap3A_189 : vector<1x1x16xf32> to vector<16xf32>
      %swap3A_191 = vector.shape_cast %broadcast_in_dim3A_3 : vector<16xf32> to vector<1x1x16xf32>
      tpu.vector_store %arg8[%swap3A_186, %swap3A_187, %swap3A_188], %swap3A_191 {strides = array<i32>} : memref<3x64x128xf32, #tpu.memory_space<vmem>>, vector<1x1x16xf32>,
      %scan3A_192 = arith.constant 0 : i32
      scf.yield %scan3A_192 : i32
    }
    %scan3A_13 = arith.constant 64 : i32
    %swap3A = arith.constant 0 : index
    %swap3A_14 = tpu.vector_load %arg9[%swap3A] {strides = array<i32>} : memref<64xf32, #tpu.memory_space<vmem>>, vector<16xf32>,
    %swap3A_15 = vector.shape_cast %swap3A_14 : vector<16xf32> to vector<16xf32>
    %swap3A_16 = vector.shape_cast %broadcast_in_dim3A_5 : vector<16xf32> to vector<16xf32>
    tpu.vector_store %arg9[%swap3A], %swap3A_16 {strides = array<i32>} : memref<64xf32, #tpu.memory_space<vmem>>, vector<16xf32>,
    %swap3A_17 = arith.constant 16 : index
    %swap3A_18 = tpu.vector_load %arg9[%swap3A_17] {strides = array<i32>} : memref<64xf32, #tpu.memory_space<vmem>>, vector<16xf32>,
    %swap3A_19 = vector.shape_cast %swap3A_18 : vector<16xf32> to vector<16xf32>
    %swap3A_20 = vector.shape_cast %broadcast_in_dim3A_5 : vector<16xf32> to vector<16xf32>
    tpu.vector_store %arg9[%swap3A_17], %swap3A_20 {strides = array<i32>} : memref<64xf32, #tpu.memory_space<vmem>>, vector<16xf32>,
    %swap3A_21 = arith.constant 32 : index
    %swap3A_22 = tpu.vector_load %arg9[%swap3A_21] {strides = array<i32>} : memref<64xf32, #tpu.memory_space<vmem>>, vector<16xf32>,
    %swap3A_23 = vector.shape_cast %swap3A_22 : vector<16xf32> to vector<16xf32>
    %swap3A_24 = vector.shape_cast %broadcast_in_dim3A_5 : vector<16xf32> to vector<16xf32>
    tpu.vector_store %arg9[%swap3A_21], %swap3A_24 {strides = array<i32>} : memref<64xf32, #tpu.memory_space<vmem>>, vector<16xf32>,
    %swap3A_25 = arith.constant 48 : index
    %swap3A_26 = tpu.vector_load %arg9[%swap3A_25] {strides = array<i32>} : memref<64xf32, #tpu.memory_space<vmem>>, vector<16xf32>,
    %swap3A_27 = vector.shape_cast %swap3A_26 : vector<16xf32> to vector<16xf32>
    %swap3A_28 = vector.shape_cast %broadcast_in_dim3A_5 : vector<16xf32> to vector<16xf32>
    tpu.vector_store %arg9[%swap3A_25], %swap3A_28 {strides = array<i32>} : memref<64xf32, #tpu.memory_space<vmem>>, vector<16xf32>,
    %scan3A_29 = arith.constant 0 : i32
    %scan3A_30 = arith.constant 0 : i32
    %scan3A_31 = arith.constant 40 : i32
    %scan3A_32 = arith.addi %scan3A_30, %scan3A_31 : i32
    %scan3A_33 = arith.constant 1 : i32
    %scan3A_34 = scf.for %scan3A_134 = %scan3A_30 to %scan3A_32 step %scan3A_33 iter_args(%scan3A_135 = %scan3A_29) -> (i32)  : i32 {
      %mul3A_136 = arith.constant 16 : i32
      %mul3A_137 = arith.muli %scan3A_134, %mul3A_136 : i32
      %swap3A_138 = arith.index_cast %mul3A_137 : i32 to index
      %swap3A_139 = tpu.vector_load %arg10[%swap3A_138] {strides = array<i32>} : memref<640xf32, #tpu.memory_space<vmem>>, vector<16xf32>,
      %swap3A_140 = vector.shape_cast %swap3A_139 : vector<16xf32> to vector<16xf32>
      %swap3A_141 = vector.shape_cast %broadcast_in_dim3A_3 : vector<16xf32> to vector<16xf32>
      tpu.vector_store %arg10[%swap3A_138], %swap3A_141 {strides = array<i32>} : memref<640xf32, #tpu.memory_space<vmem>>, vector<16xf32>,
      %scan3A_142 = arith.constant 0 : i32
      scf.yield %scan3A_142 : i32
    }
    %scan3A_35 = arith.constant 40 : i32
    %mul3A_36 = arith.constant 640 : i32
    %mul3A_37 = arith.muli %arg1, %mul3A_36 : i32
    %add3A_38 = arith.constant 0 : i32
    %add3A_39 = arith.addi %mul3A_37, %add3A_38 : i32
    %run_scoped3A = arith.constant 0 : i32
    "tpu.region"() ({
      %run_scoped3A_134 = tpu.sem_alloc : memref<!tpu.dma_semaphore, #tpu.memory_space<semaphore_mem>>
      %dma_start3A_135 = arith.constant 0 : i32
      %dma_start3A_136 = arith.constant 0 : i32
      %dma_start3A_137 = tpu.memref_slice %arg8[%run_scoped3A, %dma_start3A_135, %dma_start3A_136] : memref<3x64x128xf32, #tpu.memory_space<vmem>> -> memref<1x64x128xf32, #tpu.memory_space<vmem>>
      %dma_start3A_138 = tpu.memref_squeeze %dma_start3A_137 : memref<1x64x128xf32, #tpu.memory_space<vmem>> -> memref<64x128xf32, #tpu.memory_space<vmem>>
      %dma_start3A_139 = arith.constant 0 : i32
      %dma_start3A_140 = tpu.memref_slice %arg14[%add3A_39, %dma_start3A_139] : memref<10240x128xf32, #tpu.memory_space<vmem_shared>> -> memref<64x128xf32, #tpu.memory_space<vmem_shared>>
      %dma_start3A_141 = arith.constant 0 : i32
      %dma_start3A_142 = tpu.memref_slice %arg14[%add3A_39, %dma_start3A_141] : memref<10240x128xf32, #tpu.memory_space<vmem_shared>> -> memref<64x128xf32, #tpu.memory_space<vmem_shared>>
      %dma_start3A_143 = arith.constant 0 : i32
      %dma_start3A_144 = arith.constant 0 : i32
      %dma_start3A_145 = tpu.memref_slice %arg8[%run_scoped3A, %dma_start3A_143, %dma_start3A_144] : memref<3x64x128xf32, #tpu.memory_space<vmem>> -> memref<1x64x128xf32, #tpu.memory_space<vmem>>
      %dma_start3A_146 = tpu.memref_squeeze %dma_start3A_145 : memref<1x64x128xf32, #tpu.memory_space<vmem>> -> memref<64x128xf32, #tpu.memory_space<vmem>>
      tpu.enqueue_dma source(%dma_start3A_146 : memref<64x128xf32, #tpu.memory_space<vmem>>) target(%dma_start3A_142 : memref<64x128xf32, #tpu.memory_space<vmem_shared>>) target_semaphore(%run_scoped3A_134 : memref<!tpu.dma_semaphore, #tpu.memory_space<semaphore_mem>>)
      %dma_wait3A = arith.constant 0 : i32
      %dma_wait3A_147 = arith.constant 0 : i32
      %dma_wait3A_148 = tpu.memref_slice %arg8[%run_scoped3A, %dma_wait3A, %dma_wait3A_147] : memref<3x64x128xf32, #tpu.memory_space<vmem>> -> memref<1x64x128xf32, #tpu.memory_space<vmem>>
      %dma_wait3A_149 = tpu.memref_squeeze %dma_wait3A_148 : memref<1x64x128xf32, #tpu.memory_space<vmem>> -> memref<64x128xf32, #tpu.memory_space<vmem>>
      %dma_wait3A_150 = arith.constant 0 : i32
      %dma_wait3A_151 = tpu.memref_slice %arg14[%add3A_39, %dma_wait3A_150] : memref<10240x128xf32, #tpu.memory_space<vmem_shared>> -> memref<64x128xf32, #tpu.memory_space<vmem_shared>>
      %dma_wait3A_152 = arith.constant 0 : i32
      %dma_wait3A_153 = tpu.memref_slice %arg14[%add3A_39, %dma_wait3A_152] : memref<10240x128xf32, #tpu.memory_space<vmem_shared>> -> memref<64x128xf32, #tpu.memory_space<vmem_shared>>
      %dma_wait3A_154 = arith.constant 0 : i32
      %dma_wait3A_155 = arith.constant 0 : i32
      %dma_wait3A_156 = tpu.memref_slice %arg8[%run_scoped3A, %dma_wait3A_154, %dma_wait3A_155] : memref<3x64x128xf32, #tpu.memory_space<vmem>> -> memref<1x64x128xf32, #tpu.memory_space<vmem>>
      %dma_wait3A_157 = tpu.memref_squeeze %dma_wait3A_156 : memref<1x64x128xf32, #tpu.memory_space<vmem>> -> memref<64x128xf32, #tpu.memory_space<vmem>>
      tpu.wait_dma2 semaphore(%run_scoped3A_134 : memref<!tpu.dma_semaphore, #tpu.memory_space<semaphore_mem>>) src(%dma_wait3A_157 : memref<64x128xf32, #tpu.memory_space<vmem>>) dst(%dma_wait3A_153 : memref<64x128xf32, #tpu.memory_space<vmem_shared>>)
      tpu.yield
    }) : () -> ()
    %mul3A_40 = arith.constant 640 : i32
    %mul3A_41 = arith.muli %arg1, %mul3A_40 : i32
    %add3A_42 = arith.constant 64 : i32
    %add3A_43 = arith.addi %mul3A_41, %add3A_42 : i32
    %run_scoped3A_44 = arith.constant 0 : i32
    "tpu.region"() ({
      %run_scoped3A_134 = tpu.sem_alloc : memref<!tpu.dma_semaphore, #tpu.memory_space<semaphore_mem>>
      %dma_start3A_135 = arith.constant 0 : i32
      %dma_start3A_136 = arith.constant 0 : i32
      %dma_start3A_137 = tpu.memref_slice %arg8[%run_scoped3A_44, %dma_start3A_135, %dma_start3A_136] : memref<3x64x128xf32, #tpu.memory_space<vmem>> -> memref<1x64x128xf32, #tpu.memory_space<vmem>>
      %dma_start3A_138 = tpu.memref_squeeze %dma_start3A_137 : memref<1x64x128xf32, #tpu.memory_space<vmem>> -> memref<64x128xf32, #tpu.memory_space<vmem>>
      %dma_start3A_139 = arith.constant 0 : i32
      %dma_start3A_140 = tpu.memref_slice %arg14[%add3A_43, %dma_start3A_139] : memref<10240x128xf32, #tpu.memory_space<vmem_shared>> -> memref<64x128xf32, #tpu.memory_space<vmem_shared>>
      %dma_start3A_141 = arith.constant 0 : i32
      %dma_start3A_142 = tpu.memref_slice %arg14[%add3A_43, %dma_start3A_141] : memref<10240x128xf32, #tpu.memory_space<vmem_shared>> -> memref<64x128xf32, #tpu.memory_space<vmem_shared>>
      %dma_start3A_143 = arith.constant 0 : i32
      %dma_start3A_144 = arith.constant 0 : i32
      %dma_start3A_145 = tpu.memref_slice %arg8[%run_scoped3A_44, %dma_start3A_143, %dma_start3A_144] : memref<3x64x128xf32, #tpu.memory_space<vmem>> -> memref<1x64x128xf32, #tpu.memory_space<vmem>>
      %dma_start3A_146 = tpu.memref_squeeze %dma_start3A_145 : memref<1x64x128xf32, #tpu.memory_space<vmem>> -> memref<64x128xf32, #tpu.memory_space<vmem>>
      tpu.enqueue_dma source(%dma_start3A_146 : memref<64x128xf32, #tpu.memory_space<vmem>>) target(%dma_start3A_142 : memref<64x128xf32, #tpu.memory_space<vmem_shared>>) target_semaphore(%run_scoped3A_134 : memref<!tpu.dma_semaphore, #tpu.memory_space<semaphore_mem>>)
      %dma_wait3A = arith.constant 0 : i32
      %dma_wait3A_147 = arith.constant 0 : i32
      %dma_wait3A_148 = tpu.memref_slice %arg8[%run_scoped3A_44, %dma_wait3A, %dma_wait3A_147] : memref<3x64x128xf32, #tpu.memory_space<vmem>> -> memref<1x64x128xf32, #tpu.memory_space<vmem>>
      %dma_wait3A_149 = tpu.memref_squeeze %dma_wait3A_148 : memref<1x64x128xf32, #tpu.memory_space<vmem>> -> memref<64x128xf32, #tpu.memory_space<vmem>>
      %dma_wait3A_150 = arith.constant 0 : i32
      %dma_wait3A_151 = tpu.memref_slice %arg14[%add3A_43, %dma_wait3A_150] : memref<10240x128xf32, #tpu.memory_space<vmem_shared>> -> memref<64x128xf32, #tpu.memory_space<vmem_shared>>
      %dma_wait3A_152 = arith.constant 0 : i32
      %dma_wait3A_153 = tpu.memref_slice %arg14[%add3A_43, %dma_wait3A_152] : memref<10240x128xf32, #tpu.memory_space<vmem_shared>> -> memref<64x128xf32, #tpu.memory_space<vmem_shared>>
      %dma_wait3A_154 = arith.constant 0 : i32
      %dma_wait3A_155 = arith.constant 0 : i32
      %dma_wait3A_156 = tpu.memref_slice %arg8[%run_scoped3A_44, %dma_wait3A_154, %dma_wait3A_155] : memref<3x64x128xf32, #tpu.memory_space<vmem>> -> memref<1x64x128xf32, #tpu.memory_space<vmem>>
      %dma_wait3A_157 = tpu.memref_squeeze %dma_wait3A_156 : memref<1x64x128xf32, #tpu.memory_space<vmem>> -> memref<64x128xf32, #tpu.memory_space<vmem>>
      tpu.wait_dma2 semaphore(%run_scoped3A_134 : memref<!tpu.dma_semaphore, #tpu.memory_space<semaphore_mem>>) src(%dma_wait3A_157 : memref<64x128xf32, #tpu.memory_space<vmem>>) dst(%dma_wait3A_153 : memref<64x128xf32, #tpu.memory_space<vmem_shared>>)
      tpu.yield
    }) : () -> ()
    %mul3A_45 = arith.constant 640 : i32
    %mul3A_46 = arith.muli %arg1, %mul3A_45 : i32
    %add3A_47 = arith.constant 128 : i32
    %add3A_48 = arith.addi %mul3A_46, %add3A_47 : i32
    %run_scoped3A_49 = arith.constant 0 : i32
    "tpu.region"() ({
      %run_scoped3A_134 = tpu.sem_alloc : memref<!tpu.dma_semaphore, #tpu.memory_space<semaphore_mem>>
      %dma_start3A_135 = arith.constant 0 : i32
      %dma_start3A_136 = arith.constant 0 : i32
      %dma_start3A_137 = tpu.memref_slice %arg8[%run_scoped3A_49, %dma_start3A_135, %dma_start3A_136] : memref<3x64x128xf32, #tpu.memory_space<vmem>> -> memref<1x64x128xf32, #tpu.memory_space<vmem>>
      %dma_start3A_138 = tpu.memref_squeeze %dma_start3A_137 : memref<1x64x128xf32, #tpu.memory_space<vmem>> -> memref<64x128xf32, #tpu.memory_space<vmem>>
      %dma_start3A_139 = arith.constant 0 : i32
      %dma_start3A_140 = tpu.memref_slice %arg14[%add3A_48, %dma_start3A_139] : memref<10240x128xf32, #tpu.memory_space<vmem_shared>> -> memref<64x128xf32, #tpu.memory_space<vmem_shared>>
      %dma_start3A_141 = arith.constant 0 : i32
      %dma_start3A_142 = tpu.memref_slice %arg14[%add3A_48, %dma_start3A_141] : memref<10240x128xf32, #tpu.memory_space<vmem_shared>> -> memref<64x128xf32, #tpu.memory_space<vmem_shared>>
      %dma_start3A_143 = arith.constant 0 : i32
      %dma_start3A_144 = arith.constant 0 : i32
      %dma_start3A_145 = tpu.memref_slice %arg8[%run_scoped3A_49, %dma_start3A_143, %dma_start3A_144] : memref<3x64x128xf32, #tpu.memory_space<vmem>> -> memref<1x64x128xf32, #tpu.memory_space<vmem>>
      %dma_start3A_146 = tpu.memref_squeeze %dma_start3A_145 : memref<1x64x128xf32, #tpu.memory_space<vmem>> -> memref<64x128xf32, #tpu.memory_space<vmem>>
      tpu.enqueue_dma source(%dma_start3A_146 : memref<64x128xf32, #tpu.memory_space<vmem>>) target(%dma_start3A_142 : memref<64x128xf32, #tpu.memory_space<vmem_shared>>) target_semaphore(%run_scoped3A_134 : memref<!tpu.dma_semaphore, #tpu.memory_space<semaphore_mem>>)
      %dma_wait3A = arith.constant 0 : i32
      %dma_wait3A_147 = arith.constant 0 : i32
      %dma_wait3A_148 = tpu.memref_slice %arg8[%run_scoped3A_49, %dma_wait3A, %dma_wait3A_147] : memref<3x64x128xf32, #tpu.memory_space<vmem>> -> memref<1x64x128xf32, #tpu.memory_space<vmem>>
      %dma_wait3A_149 = tpu.memref_squeeze %dma_wait3A_148 : memref<1x64x128xf32, #tpu.memory_space<vmem>> -> memref<64x128xf32, #tpu.memory_space<vmem>>
      %dma_wait3A_150 = arith.constant 0 : i32
      %dma_wait3A_151 = tpu.memref_slice %arg14[%add3A_48, %dma_wait3A_150] : memref<10240x128xf32, #tpu.memory_space<vmem_shared>> -> memref<64x128xf32, #tpu.memory_space<vmem_shared>>
      %dma_wait3A_152 = arith.constant 0 : i32
      %dma_wait3A_153 = tpu.memref_slice %arg14[%add3A_48, %dma_wait3A_152] : memref<10240x128xf32, #tpu.memory_space<vmem_shared>> -> memref<64x128xf32, #tpu.memory_space<vmem_shared>>
      %dma_wait3A_154 = arith.constant 0 : i32
      %dma_wait3A_155 = arith.constant 0 : i32
      %dma_wait3A_156 = tpu.memref_slice %arg8[%run_scoped3A_49, %dma_wait3A_154, %dma_wait3A_155] : memref<3x64x128xf32, #tpu.memory_space<vmem>> -> memref<1x64x128xf32, #tpu.memory_space<vmem>>
      %dma_wait3A_157 = tpu.memref_squeeze %dma_wait3A_156 : memref<1x64x128xf32, #tpu.memory_space<vmem>> -> memref<64x128xf32, #tpu.memory_space<vmem>>
      tpu.wait_dma2 semaphore(%run_scoped3A_134 : memref<!tpu.dma_semaphore, #tpu.memory_space<semaphore_mem>>) src(%dma_wait3A_157 : memref<64x128xf32, #tpu.memory_space<vmem>>) dst(%dma_wait3A_153 : memref<64x128xf32, #tpu.memory_space<vmem_shared>>)
      tpu.yield
    }) : () -> ()
    %mul3A_50 = arith.constant 640 : i32
    %mul3A_51 = arith.muli %arg1, %mul3A_50 : i32
    %add3A_52 = arith.constant 192 : i32
    %add3A_53 = arith.addi %mul3A_51, %add3A_52 : i32
    %run_scoped3A_54 = arith.constant 0 : i32
    "tpu.region"() ({
      %run_scoped3A_134 = tpu.sem_alloc : memref<!tpu.dma_semaphore, #tpu.memory_space<semaphore_mem>>
      %dma_start3A_135 = arith.constant 0 : i32
      %dma_start3A_136 = arith.constant 0 : i32
      %dma_start3A_137 = tpu.memref_slice %arg8[%run_scoped3A_54, %dma_start3A_135, %dma_start3A_136] : memref<3x64x128xf32, #tpu.memory_space<vmem>> -> memref<1x64x128xf32, #tpu.memory_space<vmem>>
      %dma_start3A_138 = tpu.memref_squeeze %dma_start3A_137 : memref<1x64x128xf32, #tpu.memory_space<vmem>> -> memref<64x128xf32, #tpu.memory_space<vmem>>
      %dma_start3A_139 = arith.constant 0 : i32
      %dma_start3A_140 = tpu.memref_slice %arg14[%add3A_53, %dma_start3A_139] : memref<10240x128xf32, #tpu.memory_space<vmem_shared>> -> memref<64x128xf32, #tpu.memory_space<vmem_shared>>
      %dma_start3A_141 = arith.constant 0 : i32
      %dma_start3A_142 = tpu.memref_slice %arg14[%add3A_53, %dma_start3A_141] : memref<10240x128xf32, #tpu.memory_space<vmem_shared>> -> memref<64x128xf32, #tpu.memory_space<vmem_shared>>
      %dma_start3A_143 = arith.constant 0 : i32
      %dma_start3A_144 = arith.constant 0 : i32
      %dma_start3A_145 = tpu.memref_slice %arg8[%run_scoped3A_54, %dma_start3A_143, %dma_start3A_144] : memref<3x64x128xf32, #tpu.memory_space<vmem>> -> memref<1x64x128xf32, #tpu.memory_space<vmem>>
      %dma_start3A_146 = tpu.memref_squeeze %dma_start3A_145 : memref<1x64x128xf32, #tpu.memory_space<vmem>> -> memref<64x128xf32, #tpu.memory_space<vmem>>
      tpu.enqueue_dma source(%dma_start3A_146 : memref<64x128xf32, #tpu.memory_space<vmem>>) target(%dma_start3A_142 : memref<64x128xf32, #tpu.memory_space<vmem_shared>>) target_semaphore(%run_scoped3A_134 : memref<!tpu.dma_semaphore, #tpu.memory_space<semaphore_mem>>)
      %dma_wait3A = arith.constant 0 : i32
      %dma_wait3A_147 = arith.constant 0 : i32
      %dma_wait3A_148 = tpu.memref_slice %arg8[%run_scoped3A_54, %dma_wait3A, %dma_wait3A_147] : memref<3x64x128xf32, #tpu.memory_space<vmem>> -> memref<1x64x128xf32, #tpu.memory_space<vmem>>
      %dma_wait3A_149 = tpu.memref_squeeze %dma_wait3A_148 : memref<1x64x128xf32, #tpu.memory_space<vmem>> -> memref<64x128xf32, #tpu.memory_space<vmem>>
      %dma_wait3A_150 = arith.constant 0 : i32
      %dma_wait3A_151 = tpu.memref_slice %arg14[%add3A_53, %dma_wait3A_150] : memref<10240x128xf32, #tpu.memory_space<vmem_shared>> -> memref<64x128xf32, #tpu.memory_space<vmem_shared>>
      %dma_wait3A_152 = arith.constant 0 : i32
      %dma_wait3A_153 = tpu.memref_slice %arg14[%add3A_53, %dma_wait3A_152] : memref<10240x128xf32, #tpu.memory_space<vmem_shared>> -> memref<64x128xf32, #tpu.memory_space<vmem_shared>>
      %dma_wait3A_154 = arith.constant 0 : i32
      %dma_wait3A_155 = arith.constant 0 : i32
      %dma_wait3A_156 = tpu.memref_slice %arg8[%run_scoped3A_54, %dma_wait3A_154, %dma_wait3A_155] : memref<3x64x128xf32, #tpu.memory_space<vmem>> -> memref<1x64x128xf32, #tpu.memory_space<vmem>>
      %dma_wait3A_157 = tpu.memref_squeeze %dma_wait3A_156 : memref<1x64x128xf32, #tpu.memory_space<vmem>> -> memref<64x128xf32, #tpu.memory_space<vmem>>
      tpu.wait_dma2 semaphore(%run_scoped3A_134 : memref<!tpu.dma_semaphore, #tpu.memory_space<semaphore_mem>>) src(%dma_wait3A_157 : memref<64x128xf32, #tpu.memory_space<vmem>>) dst(%dma_wait3A_153 : memref<64x128xf32, #tpu.memory_space<vmem_shared>>)
      tpu.yield
    }) : () -> ()
    %mul3A_55 = arith.constant 640 : i32
    %mul3A_56 = arith.muli %arg1, %mul3A_55 : i32
    %add3A_57 = arith.constant 256 : i32
    %add3A_58 = arith.addi %mul3A_56, %add3A_57 : i32
    %run_scoped3A_59 = arith.constant 0 : i32
    "tpu.region"() ({
      %run_scoped3A_134 = tpu.sem_alloc : memref<!tpu.dma_semaphore, #tpu.memory_space<semaphore_mem>>
      %dma_start3A_135 = arith.constant 0 : i32
      %dma_start3A_136 = arith.constant 0 : i32
      %dma_start3A_137 = tpu.memref_slice %arg8[%run_scoped3A_59, %dma_start3A_135, %dma_start3A_136] : memref<3x64x128xf32, #tpu.memory_space<vmem>> -> memref<1x64x128xf32, #tpu.memory_space<vmem>>
      %dma_start3A_138 = tpu.memref_squeeze %dma_start3A_137 : memref<1x64x128xf32, #tpu.memory_space<vmem>> -> memref<64x128xf32, #tpu.memory_space<vmem>>
      %dma_start3A_139 = arith.constant 0 : i32
      %dma_start3A_140 = tpu.memref_slice %arg14[%add3A_58, %dma_start3A_139] : memref<10240x128xf32, #tpu.memory_space<vmem_shared>> -> memref<64x128xf32, #tpu.memory_space<vmem_shared>>
      %dma_start3A_141 = arith.constant 0 : i32
      %dma_start3A_142 = tpu.memref_slice %arg14[%add3A_58, %dma_start3A_141] : memref<10240x128xf32, #tpu.memory_space<vmem_shared>> -> memref<64x128xf32, #tpu.memory_space<vmem_shared>>
      %dma_start3A_143 = arith.constant 0 : i32
      %dma_start3A_144 = arith.constant 0 : i32
      %dma_start3A_145 = tpu.memref_slice %arg8[%run_scoped3A_59, %dma_start3A_143, %dma_start3A_144] : memref<3x64x128xf32, #tpu.memory_space<vmem>> -> memref<1x64x128xf32, #tpu.memory_space<vmem>>
      %dma_start3A_146 = tpu.memref_squeeze %dma_start3A_145 : memref<1x64x128xf32, #tpu.memory_space<vmem>> -> memref<64x128xf32, #tpu.memory_space<vmem>>
      tpu.enqueue_dma source(%dma_start3A_146 : memref<64x128xf32, #tpu.memory_space<vmem>>) target(%dma_start3A_142 : memref<64x128xf32, #tpu.memory_space<vmem_shared>>) target_semaphore(%run_scoped3A_134 : memref<!tpu.dma_semaphore, #tpu.memory_space<semaphore_mem>>)
      %dma_wait3A = arith.constant 0 : i32
      %dma_wait3A_147 = arith.constant 0 : i32
      %dma_wait3A_148 = tpu.memref_slice %arg8[%run_scoped3A_59, %dma_wait3A, %dma_wait3A_147] : memref<3x64x128xf32, #tpu.memory_space<vmem>> -> memref<1x64x128xf32, #tpu.memory_space<vmem>>
      %dma_wait3A_149 = tpu.memref_squeeze %dma_wait3A_148 : memref<1x64x128xf32, #tpu.memory_space<vmem>> -> memref<64x128xf32, #tpu.memory_space<vmem>>
      %dma_wait3A_150 = arith.constant 0 : i32
      %dma_wait3A_151 = tpu.memref_slice %arg14[%add3A_58, %dma_wait3A_150] : memref<10240x128xf32, #tpu.memory_space<vmem_shared>> -> memref<64x128xf32, #tpu.memory_space<vmem_shared>>
      %dma_wait3A_152 = arith.constant 0 : i32
      %dma_wait3A_153 = tpu.memref_slice %arg14[%add3A_58, %dma_wait3A_152] : memref<10240x128xf32, #tpu.memory_space<vmem_shared>> -> memref<64x128xf32, #tpu.memory_space<vmem_shared>>
      %dma_wait3A_154 = arith.constant 0 : i32
      %dma_wait3A_155 = arith.constant 0 : i32
      %dma_wait3A_156 = tpu.memref_slice %arg8[%run_scoped3A_59, %dma_wait3A_154, %dma_wait3A_155] : memref<3x64x128xf32, #tpu.memory_space<vmem>> -> memref<1x64x128xf32, #tpu.memory_space<vmem>>
      %dma_wait3A_157 = tpu.memref_squeeze %dma_wait3A_156 : memref<1x64x128xf32, #tpu.memory_space<vmem>> -> memref<64x128xf32, #tpu.memory_space<vmem>>
      tpu.wait_dma2 semaphore(%run_scoped3A_134 : memref<!tpu.dma_semaphore, #tpu.memory_space<semaphore_mem>>) src(%dma_wait3A_157 : memref<64x128xf32, #tpu.memory_space<vmem>>) dst(%dma_wait3A_153 : memref<64x128xf32, #tpu.memory_space<vmem_shared>>)
      tpu.yield
    }) : () -> ()
    %mul3A_60 = arith.constant 640 : i32
    %mul3A_61 = arith.muli %arg1, %mul3A_60 : i32
    %add3A_62 = arith.constant 320 : i32
    %add3A_63 = arith.addi %mul3A_61, %add3A_62 : i32
    %run_scoped3A_64 = arith.constant 0 : i32
    "tpu.region"() ({
      %run_scoped3A_134 = tpu.sem_alloc : memref<!tpu.dma_semaphore, #tpu.memory_space<semaphore_mem>>
      %dma_start3A_135 = arith.constant 0 : i32
      %dma_start3A_136 = arith.constant 0 : i32
      %dma_start3A_137 = tpu.memref_slice %arg8[%run_scoped3A_64, %dma_start3A_135, %dma_start3A_136] : memref<3x64x128xf32, #tpu.memory_space<vmem>> -> memref<1x64x128xf32, #tpu.memory_space<vmem>>
      %dma_start3A_138 = tpu.memref_squeeze %dma_start3A_137 : memref<1x64x128xf32, #tpu.memory_space<vmem>> -> memref<64x128xf32, #tpu.memory_space<vmem>>
      %dma_start3A_139 = arith.constant 0 : i32
      %dma_start3A_140 = tpu.memref_slice %arg14[%add3A_63, %dma_start3A_139] : memref<10240x128xf32, #tpu.memory_space<vmem_shared>> -> memref<64x128xf32, #tpu.memory_space<vmem_shared>>
      %dma_start3A_141 = arith.constant 0 : i32
      %dma_start3A_142 = tpu.memref_slice %arg14[%add3A_63, %dma_start3A_141] : memref<10240x128xf32, #tpu.memory_space<vmem_shared>> -> memref<64x128xf32, #tpu.memory_space<vmem_shared>>
      %dma_start3A_143 = arith.constant 0 : i32
      %dma_start3A_144 = arith.constant 0 : i32
      %dma_start3A_145 = tpu.memref_slice %arg8[%run_scoped3A_64, %dma_start3A_143, %dma_start3A_144] : memref<3x64x128xf32, #tpu.memory_space<vmem>> -> memref<1x64x128xf32, #tpu.memory_space<vmem>>
      %dma_start3A_146 = tpu.memref_squeeze %dma_start3A_145 : memref<1x64x128xf32, #tpu.memory_space<vmem>> -> memref<64x128xf32, #tpu.memory_space<vmem>>
      tpu.enqueue_dma source(%dma_start3A_146 : memref<64x128xf32, #tpu.memory_space<vmem>>) target(%dma_start3A_142 : memref<64x128xf32, #tpu.memory_space<vmem_shared>>) target_semaphore(%run_scoped3A_134 : memref<!tpu.dma_semaphore, #tpu.memory_space<semaphore_mem>>)
      %dma_wait3A = arith.constant 0 : i32
      %dma_wait3A_147 = arith.constant 0 : i32
      %dma_wait3A_148 = tpu.memref_slice %arg8[%run_scoped3A_64, %dma_wait3A, %dma_wait3A_147] : memref<3x64x128xf32, #tpu.memory_space<vmem>> -> memref<1x64x128xf32, #tpu.memory_space<vmem>>
      %dma_wait3A_149 = tpu.memref_squeeze %dma_wait3A_148 : memref<1x64x128xf32, #tpu.memory_space<vmem>> -> memref<64x128xf32, #tpu.memory_space<vmem>>
      %dma_wait3A_150 = arith.constant 0 : i32
      %dma_wait3A_151 = tpu.memref_slice %arg14[%add3A_63, %dma_wait3A_150] : memref<10240x128xf32, #tpu.memory_space<vmem_shared>> -> memref<64x128xf32, #tpu.memory_space<vmem_shared>>
      %dma_wait3A_152 = arith.constant 0 : i32
      %dma_wait3A_153 = tpu.memref_slice %arg14[%add3A_63, %dma_wait3A_152] : memref<10240x128xf32, #tpu.memory_space<vmem_shared>> -> memref<64x128xf32, #tpu.memory_space<vmem_shared>>
      %dma_wait3A_154 = arith.constant 0 : i32
      %dma_wait3A_155 = arith.constant 0 : i32
      %dma_wait3A_156 = tpu.memref_slice %arg8[%run_scoped3A_64, %dma_wait3A_154, %dma_wait3A_155] : memref<3x64x128xf32, #tpu.memory_space<vmem>> -> memref<1x64x128xf32, #tpu.memory_space<vmem>>
      %dma_wait3A_157 = tpu.memref_squeeze %dma_wait3A_156 : memref<1x64x128xf32, #tpu.memory_space<vmem>> -> memref<64x128xf32, #tpu.memory_space<vmem>>
      tpu.wait_dma2 semaphore(%run_scoped3A_134 : memref<!tpu.dma_semaphore, #tpu.memory_space<semaphore_mem>>) src(%dma_wait3A_157 : memref<64x128xf32, #tpu.memory_space<vmem>>) dst(%dma_wait3A_153 : memref<64x128xf32, #tpu.memory_space<vmem_shared>>)
      tpu.yield
    }) : () -> ()
    %mul3A_65 = arith.constant 640 : i32
    %mul3A_66 = arith.muli %arg1, %mul3A_65 : i32
    %add3A_67 = arith.constant 384 : i32
    %add3A_68 = arith.addi %mul3A_66, %add3A_67 : i32
    %run_scoped3A_69 = arith.constant 0 : i32
    "tpu.region"() ({
      %run_scoped3A_134 = tpu.sem_alloc : memref<!tpu.dma_semaphore, #tpu.memory_space<semaphore_mem>>
      %dma_start3A_135 = arith.constant 0 : i32
      %dma_start3A_136 = arith.constant 0 : i32
      %dma_start3A_137 = tpu.memref_slice %arg8[%run_scoped3A_69, %dma_start3A_135, %dma_start3A_136] : memref<3x64x128xf32, #tpu.memory_space<vmem>> -> memref<1x64x128xf32, #tpu.memory_space<vmem>>
      %dma_start3A_138 = tpu.memref_squeeze %dma_start3A_137 : memref<1x64x128xf32, #tpu.memory_space<vmem>> -> memref<64x128xf32, #tpu.memory_space<vmem>>
      %dma_start3A_139 = arith.constant 0 : i32
      %dma_start3A_140 = tpu.memref_slice %arg14[%add3A_68, %dma_start3A_139] : memref<10240x128xf32, #tpu.memory_space<vmem_shared>> -> memref<64x128xf32, #tpu.memory_space<vmem_shared>>
      %dma_start3A_141 = arith.constant 0 : i32
      %dma_start3A_142 = tpu.memref_slice %arg14[%add3A_68, %dma_start3A_141] : memref<10240x128xf32, #tpu.memory_space<vmem_shared>> -> memref<64x128xf32, #tpu.memory_space<vmem_shared>>
      %dma_start3A_143 = arith.constant 0 : i32
      %dma_start3A_144 = arith.constant 0 : i32
      %dma_start3A_145 = tpu.memref_slice %arg8[%run_scoped3A_69, %dma_start3A_143, %dma_start3A_144] : memref<3x64x128xf32, #tpu.memory_space<vmem>> -> memref<1x64x128xf32, #tpu.memory_space<vmem>>
      %dma_start3A_146 = tpu.memref_squeeze %dma_start3A_145 : memref<1x64x128xf32, #tpu.memory_space<vmem>> -> memref<64x128xf32, #tpu.memory_space<vmem>>
      tpu.enqueue_dma source(%dma_start3A_146 : memref<64x128xf32, #tpu.memory_space<vmem>>) target(%dma_start3A_142 : memref<64x128xf32, #tpu.memory_space<vmem_shared>>) target_semaphore(%run_scoped3A_134 : memref<!tpu.dma_semaphore, #tpu.memory_space<semaphore_mem>>)
      %dma_wait3A = arith.constant 0 : i32
      %dma_wait3A_147 = arith.constant 0 : i32
      %dma_wait3A_148 = tpu.memref_slice %arg8[%run_scoped3A_69, %dma_wait3A, %dma_wait3A_147] : memref<3x64x128xf32, #tpu.memory_space<vmem>> -> memref<1x64x128xf32, #tpu.memory_space<vmem>>
      %dma_wait3A_149 = tpu.memref_squeeze %dma_wait3A_148 : memref<1x64x128xf32, #tpu.memory_space<vmem>> -> memref<64x128xf32, #tpu.memory_space<vmem>>
      %dma_wait3A_150 = arith.constant 0 : i32
      %dma_wait3A_151 = tpu.memref_slice %arg14[%add3A_68, %dma_wait3A_150] : memref<10240x128xf32, #tpu.memory_space<vmem_shared>> -> memref<64x128xf32, #tpu.memory_space<vmem_shared>>
      %dma_wait3A_152 = arith.constant 0 : i32
      %dma_wait3A_153 = tpu.memref_slice %arg14[%add3A_68, %dma_wait3A_152] : memref<10240x128xf32, #tpu.memory_space<vmem_shared>> -> memref<64x128xf32, #tpu.memory_space<vmem_shared>>
      %dma_wait3A_154 = arith.constant 0 : i32
      %dma_wait3A_155 = arith.constant 0 : i32
      %dma_wait3A_156 = tpu.memref_slice %arg8[%run_scoped3A_69, %dma_wait3A_154, %dma_wait3A_155] : memref<3x64x128xf32, #tpu.memory_space<vmem>> -> memref<1x64x128xf32, #tpu.memory_space<vmem>>
      %dma_wait3A_157 = tpu.memref_squeeze %dma_wait3A_156 : memref<1x64x128xf32, #tpu.memory_space<vmem>> -> memref<64x128xf32, #tpu.memory_space<vmem>>
      tpu.wait_dma2 semaphore(%run_scoped3A_134 : memref<!tpu.dma_semaphore, #tpu.memory_space<semaphore_mem>>) src(%dma_wait3A_157 : memref<64x128xf32, #tpu.memory_space<vmem>>) dst(%dma_wait3A_153 : memref<64x128xf32, #tpu.memory_space<vmem_shared>>)
      tpu.yield
    }) : () -> ()
    %mul3A_70 = arith.constant 640 : i32
    %mul3A_71 = arith.muli %arg1, %mul3A_70 : i32
    %add3A_72 = arith.constant 448 : i32
    %add3A_73 = arith.addi %mul3A_71, %add3A_72 : i32
    %run_scoped3A_74 = arith.constant 0 : i32
    "tpu.region"() ({
      %run_scoped3A_134 = tpu.sem_alloc : memref<!tpu.dma_semaphore, #tpu.memory_space<semaphore_mem>>
      %dma_start3A_135 = arith.constant 0 : i32
      %dma_start3A_136 = arith.constant 0 : i32
      %dma_start3A_137 = tpu.memref_slice %arg8[%run_scoped3A_74, %dma_start3A_135, %dma_start3A_136] : memref<3x64x128xf32, #tpu.memory_space<vmem>> -> memref<1x64x128xf32, #tpu.memory_space<vmem>>
      %dma_start3A_138 = tpu.memref_squeeze %dma_start3A_137 : memref<1x64x128xf32, #tpu.memory_space<vmem>> -> memref<64x128xf32, #tpu.memory_space<vmem>>
      %dma_start3A_139 = arith.constant 0 : i32
      %dma_start3A_140 = tpu.memref_slice %arg14[%add3A_73, %dma_start3A_139] : memref<10240x128xf32, #tpu.memory_space<vmem_shared>> -> memref<64x128xf32, #tpu.memory_space<vmem_shared>>
      %dma_start3A_141 = arith.constant 0 : i32
      %dma_start3A_142 = tpu.memref_slice %arg14[%add3A_73, %dma_start3A_141] : memref<10240x128xf32, #tpu.memory_space<vmem_shared>> -> memref<64x128xf32, #tpu.memory_space<vmem_shared>>
      %dma_start3A_143 = arith.constant 0 : i32
      %dma_start3A_144 = arith.constant 0 : i32
      %dma_start3A_145 = tpu.memref_slice %arg8[%run_scoped3A_74, %dma_start3A_143, %dma_start3A_144] : memref<3x64x128xf32, #tpu.memory_space<vmem>> -> memref<1x64x128xf32, #tpu.memory_space<vmem>>
      %dma_start3A_146 = tpu.memref_squeeze %dma_start3A_145 : memref<1x64x128xf32, #tpu.memory_space<vmem>> -> memref<64x128xf32, #tpu.memory_space<vmem>>
      tpu.enqueue_dma source(%dma_start3A_146 : memref<64x128xf32, #tpu.memory_space<vmem>>) target(%dma_start3A_142 : memref<64x128xf32, #tpu.memory_space<vmem_shared>>) target_semaphore(%run_scoped3A_134 : memref<!tpu.dma_semaphore, #tpu.memory_space<semaphore_mem>>)
      %dma_wait3A = arith.constant 0 : i32
      %dma_wait3A_147 = arith.constant 0 : i32
      %dma_wait3A_148 = tpu.memref_slice %arg8[%run_scoped3A_74, %dma_wait3A, %dma_wait3A_147] : memref<3x64x128xf32, #tpu.memory_space<vmem>> -> memref<1x64x128xf32, #tpu.memory_space<vmem>>
      %dma_wait3A_149 = tpu.memref_squeeze %dma_wait3A_148 : memref<1x64x128xf32, #tpu.memory_space<vmem>> -> memref<64x128xf32, #tpu.memory_space<vmem>>
      %dma_wait3A_150 = arith.constant 0 : i32
      %dma_wait3A_151 = tpu.memref_slice %arg14[%add3A_73, %dma_wait3A_150] : memref<10240x128xf32, #tpu.memory_space<vmem_shared>> -> memref<64x128xf32, #tpu.memory_space<vmem_shared>>
      %dma_wait3A_152 = arith.constant 0 : i32
      %dma_wait3A_153 = tpu.memref_slice %arg14[%add3A_73, %dma_wait3A_152] : memref<10240x128xf32, #tpu.memory_space<vmem_shared>> -> memref<64x128xf32, #tpu.memory_space<vmem_shared>>
      %dma_wait3A_154 = arith.constant 0 : i32
      %dma_wait3A_155 = arith.constant 0 : i32
      %dma_wait3A_156 = tpu.memref_slice %arg8[%run_scoped3A_74, %dma_wait3A_154, %dma_wait3A_155] : memref<3x64x128xf32, #tpu.memory_space<vmem>> -> memref<1x64x128xf32, #tpu.memory_space<vmem>>
      %dma_wait3A_157 = tpu.memref_squeeze %dma_wait3A_156 : memref<1x64x128xf32, #tpu.memory_space<vmem>> -> memref<64x128xf32, #tpu.memory_space<vmem>>
      tpu.wait_dma2 semaphore(%run_scoped3A_134 : memref<!tpu.dma_semaphore, #tpu.memory_space<semaphore_mem>>) src(%dma_wait3A_157 : memref<64x128xf32, #tpu.memory_space<vmem>>) dst(%dma_wait3A_153 : memref<64x128xf32, #tpu.memory_space<vmem_shared>>)
      tpu.yield
    }) : () -> ()
    %mul3A_75 = arith.constant 640 : i32
    %mul3A_76 = arith.muli %arg1, %mul3A_75 : i32
    %add3A_77 = arith.constant 512 : i32
    %add3A_78 = arith.addi %mul3A_76, %add3A_77 : i32
    %run_scoped3A_79 = arith.constant 0 : i32
    "tpu.region"() ({
      %run_scoped3A_134 = tpu.sem_alloc : memref<!tpu.dma_semaphore, #tpu.memory_space<semaphore_mem>>
      %dma_start3A_135 = arith.constant 0 : i32
      %dma_start3A_136 = arith.constant 0 : i32
      %dma_start3A_137 = tpu.memref_slice %arg8[%run_scoped3A_79, %dma_start3A_135, %dma_start3A_136] : memref<3x64x128xf32, #tpu.memory_space<vmem>> -> memref<1x64x128xf32, #tpu.memory_space<vmem>>
      %dma_start3A_138 = tpu.memref_squeeze %dma_start3A_137 : memref<1x64x128xf32, #tpu.memory_space<vmem>> -> memref<64x128xf32, #tpu.memory_space<vmem>>
      %dma_start3A_139 = arith.constant 0 : i32
      %dma_start3A_140 = tpu.memref_slice %arg14[%add3A_78, %dma_start3A_139] : memref<10240x128xf32, #tpu.memory_space<vmem_shared>> -> memref<64x128xf32, #tpu.memory_space<vmem_shared>>
      %dma_start3A_141 = arith.constant 0 : i32
      %dma_start3A_142 = tpu.memref_slice %arg14[%add3A_78, %dma_start3A_141] : memref<10240x128xf32, #tpu.memory_space<vmem_shared>> -> memref<64x128xf32, #tpu.memory_space<vmem_shared>>
      %dma_start3A_143 = arith.constant 0 : i32
      %dma_start3A_144 = arith.constant 0 : i32
      %dma_start3A_145 = tpu.memref_slice %arg8[%run_scoped3A_79, %dma_start3A_143, %dma_start3A_144] : memref<3x64x128xf32, #tpu.memory_space<vmem>> -> memref<1x64x128xf32, #tpu.memory_space<vmem>>
      %dma_start3A_146 = tpu.memref_squeeze %dma_start3A_145 : memref<1x64x128xf32, #tpu.memory_space<vmem>> -> memref<64x128xf32, #tpu.memory_space<vmem>>
      tpu.enqueue_dma source(%dma_start3A_146 : memref<64x128xf32, #tpu.memory_space<vmem>>) target(%dma_start3A_142 : memref<64x128xf32, #tpu.memory_space<vmem_shared>>) target_semaphore(%run_scoped3A_134 : memref<!tpu.dma_semaphore, #tpu.memory_space<semaphore_mem>>)
      %dma_wait3A = arith.constant 0 : i32
      %dma_wait3A_147 = arith.constant 0 : i32
      %dma_wait3A_148 = tpu.memref_slice %arg8[%run_scoped3A_79, %dma_wait3A, %dma_wait3A_147] : memref<3x64x128xf32, #tpu.memory_space<vmem>> -> memref<1x64x128xf32, #tpu.memory_space<vmem>>
      %dma_wait3A_149 = tpu.memref_squeeze %dma_wait3A_148 : memref<1x64x128xf32, #tpu.memory_space<vmem>> -> memref<64x128xf32, #tpu.memory_space<vmem>>
      %dma_wait3A_150 = arith.constant 0 : i32
      %dma_wait3A_151 = tpu.memref_slice %arg14[%add3A_78, %dma_wait3A_150] : memref<10240x128xf32, #tpu.memory_space<vmem_shared>> -> memref<64x128xf32, #tpu.memory_space<vmem_shared>>
      %dma_wait3A_152 = arith.constant 0 : i32
      %dma_wait3A_153 = tpu.memref_slice %arg14[%add3A_78, %dma_wait3A_152] : memref<10240x128xf32, #tpu.memory_space<vmem_shared>> -> memref<64x128xf32, #tpu.memory_space<vmem_shared>>
      %dma_wait3A_154 = arith.constant 0 : i32
      %dma_wait3A_155 = arith.constant 0 : i32
      %dma_wait3A_156 = tpu.memref_slice %arg8[%run_scoped3A_79, %dma_wait3A_154, %dma_wait3A_155] : memref<3x64x128xf32, #tpu.memory_space<vmem>> -> memref<1x64x128xf32, #tpu.memory_space<vmem>>
      %dma_wait3A_157 = tpu.memref_squeeze %dma_wait3A_156 : memref<1x64x128xf32, #tpu.memory_space<vmem>> -> memref<64x128xf32, #tpu.memory_space<vmem>>
      tpu.wait_dma2 semaphore(%run_scoped3A_134 : memref<!tpu.dma_semaphore, #tpu.memory_space<semaphore_mem>>) src(%dma_wait3A_157 : memref<64x128xf32, #tpu.memory_space<vmem>>) dst(%dma_wait3A_153 : memref<64x128xf32, #tpu.memory_space<vmem_shared>>)
      tpu.yield
    }) : () -> ()
    %mul3A_80 = arith.constant 640 : i32
    %mul3A_81 = arith.muli %arg1, %mul3A_80 : i32
    %add3A_82 = arith.constant 576 : i32
    %add3A_83 = arith.addi %mul3A_81, %add3A_82 : i32
    %run_scoped3A_84 = arith.constant 0 : i32
    "tpu.region"() ({
      %run_scoped3A_134 = tpu.sem_alloc : memref<!tpu.dma_semaphore, #tpu.memory_space<semaphore_mem>>
      %dma_start3A_135 = arith.constant 0 : i32
      %dma_start3A_136 = arith.constant 0 : i32
      %dma_start3A_137 = tpu.memref_slice %arg8[%run_scoped3A_84, %dma_start3A_135, %dma_start3A_136] : memref<3x64x128xf32, #tpu.memory_space<vmem>> -> memref<1x64x128xf32, #tpu.memory_space<vmem>>
      %dma_start3A_138 = tpu.memref_squeeze %dma_start3A_137 : memref<1x64x128xf32, #tpu.memory_space<vmem>> -> memref<64x128xf32, #tpu.memory_space<vmem>>
      %dma_start3A_139 = arith.constant 0 : i32
      %dma_start3A_140 = tpu.memref_slice %arg14[%add3A_83, %dma_start3A_139] : memref<10240x128xf32, #tpu.memory_space<vmem_shared>> -> memref<64x128xf32, #tpu.memory_space<vmem_shared>>
      %dma_start3A_141 = arith.constant 0 : i32
      %dma_start3A_142 = tpu.memref_slice %arg14[%add3A_83, %dma_start3A_141] : memref<10240x128xf32, #tpu.memory_space<vmem_shared>> -> memref<64x128xf32, #tpu.memory_space<vmem_shared>>
      %dma_start3A_143 = arith.constant 0 : i32
      %dma_start3A_144 = arith.constant 0 : i32
      %dma_start3A_145 = tpu.memref_slice %arg8[%run_scoped3A_84, %dma_start3A_143, %dma_start3A_144] : memref<3x64x128xf32, #tpu.memory_space<vmem>> -> memref<1x64x128xf32, #tpu.memory_space<vmem>>
      %dma_start3A_146 = tpu.memref_squeeze %dma_start3A_145 : memref<1x64x128xf32, #tpu.memory_space<vmem>> -> memref<64x128xf32, #tpu.memory_space<vmem>>
      tpu.enqueue_dma source(%dma_start3A_146 : memref<64x128xf32, #tpu.memory_space<vmem>>) target(%dma_start3A_142 : memref<64x128xf32, #tpu.memory_space<vmem_shared>>) target_semaphore(%run_scoped3A_134 : memref<!tpu.dma_semaphore, #tpu.memory_space<semaphore_mem>>)
      %dma_wait3A = arith.constant 0 : i32
      %dma_wait3A_147 = arith.constant 0 : i32
      %dma_wait3A_148 = tpu.memref_slice %arg8[%run_scoped3A_84, %dma_wait3A, %dma_wait3A_147] : memref<3x64x128xf32, #tpu.memory_space<vmem>> -> memref<1x64x128xf32, #tpu.memory_space<vmem>>
      %dma_wait3A_149 = tpu.memref_squeeze %dma_wait3A_148 : memref<1x64x128xf32, #tpu.memory_space<vmem>> -> memref<64x128xf32, #tpu.memory_space<vmem>>
      %dma_wait3A_150 = arith.constant 0 : i32
      %dma_wait3A_151 = tpu.memref_slice %arg14[%add3A_83, %dma_wait3A_150] : memref<10240x128xf32, #tpu.memory_space<vmem_shared>> -> memref<64x128xf32, #tpu.memory_space<vmem_shared>>
      %dma_wait3A_152 = arith.constant 0 : i32
      %dma_wait3A_153 = tpu.memref_slice %arg14[%add3A_83, %dma_wait3A_152] : memref<10240x128xf32, #tpu.memory_space<vmem_shared>> -> memref<64x128xf32, #tpu.memory_space<vmem_shared>>
      %dma_wait3A_154 = arith.constant 0 : i32
      %dma_wait3A_155 = arith.constant 0 : i32
      %dma_wait3A_156 = tpu.memref_slice %arg8[%run_scoped3A_84, %dma_wait3A_154, %dma_wait3A_155] : memref<3x64x128xf32, #tpu.memory_space<vmem>> -> memref<1x64x128xf32, #tpu.memory_space<vmem>>
      %dma_wait3A_157 = tpu.memref_squeeze %dma_wait3A_156 : memref<1x64x128xf32, #tpu.memory_space<vmem>> -> memref<64x128xf32, #tpu.memory_space<vmem>>
      tpu.wait_dma2 semaphore(%run_scoped3A_134 : memref<!tpu.dma_semaphore, #tpu.memory_space<semaphore_mem>>) src(%dma_wait3A_157 : memref<64x128xf32, #tpu.memory_space<vmem>>) dst(%dma_wait3A_153 : memref<64x128xf32, #tpu.memory_space<vmem_shared>>)
      tpu.yield
    }) : () -> ()
    %mul3A_85 = arith.constant 640 : i32
    %mul3A_86 = arith.muli %arg1, %mul3A_85 : i32
    "tpu.region"() ({
      %run_scoped3A_134 = tpu.sem_alloc : memref<!tpu.dma_semaphore, #tpu.memory_space<semaphore_mem>>
      %dma_start3A_135 = tpu.memref_slice %arg15[%mul3A_86] : memref<10240xf32, #tpu.memory_space<vmem_shared>> -> memref<640xf32, #tpu.memory_space<vmem_shared>>
      %dma_start3A_136 = tpu.memref_slice %arg15[%mul3A_86] : memref<10240xf32, #tpu.memory_space<vmem_shared>> -> memref<640xf32, #tpu.memory_space<vmem_shared>>
      tpu.enqueue_dma source(%arg10 : memref<640xf32, #tpu.memory_space<vmem>>) target(%dma_start3A_136 : memref<640xf32, #tpu.memory_space<vmem_shared>>) target_semaphore(%run_scoped3A_134 : memref<!tpu.dma_semaphore, #tpu.memory_space<semaphore_mem>>)
      %dma_wait3A = tpu.memref_slice %arg15[%mul3A_86] : memref<10240xf32, #tpu.memory_space<vmem_shared>> -> memref<640xf32, #tpu.memory_space<vmem_shared>>
      %dma_wait3A_137 = tpu.memref_slice %arg15[%mul3A_86] : memref<10240xf32, #tpu.memory_space<vmem_shared>> -> memref<640xf32, #tpu.memory_space<vmem_shared>>
      tpu.wait_dma2 semaphore(%run_scoped3A_134 : memref<!tpu.dma_semaphore, #tpu.memory_space<semaphore_mem>>) src(%arg10 : memref<640xf32, #tpu.memory_space<vmem>>) dst(%dma_wait3A_137 : memref<640xf32, #tpu.memory_space<vmem_shared>>)
      tpu.yield
    }) : () -> ()
    %barrier3A = arith.constant 0 : index
    tpu.barrier barrier_id(%barrier3A)
    %dma_start3A = arith.constant 0 : i32
    %dma_start3A_87 = arith.constant 0 : i32
    %dma_start3A_88 = arith.constant 0 : i32
    %dma_start3A_89 = tpu.memref_slice %arg8[%dma_start3A, %dma_start3A_87, %dma_start3A_88] : memref<3x64x128xf32, #tpu.memory_space<vmem>> -> memref<1x64x128xf32, #tpu.memory_space<vmem>>
    %dma_start3A_90 = tpu.memref_squeeze %dma_start3A_89 : memref<1x64x128xf32, #tpu.memory_space<vmem>> -> memref<64x128xf32, #tpu.memory_space<vmem>>
    %dma_start3A_91 = arith.constant 0 : i32
    %dma_start3A_92 = tpu.memref_slice %arg6[%dma_start3A_91] : memref<10000xi32, #tpu.memory_space<vmem>> -> memref<64xi32, #tpu.memory_space<vmem>>
    %dma_start3A_93 = arith.constant 0 : i32
    %dma_start3A_94 = arith.constant 0 : i32
    %dma_start3A_95 = tpu.memref_slice %arg2[%dma_start3A_93, %dma_start3A_94] : memref<10000x128xf32, #tpu.memory_space<hbm>> -> memref<10000x128xf32, #tpu.memory_space<hbm>>
    tpu.enqueue_indirect_dma source(%dma_start3A_95 : memref<10000x128xf32, #tpu.memory_space<hbm>>) target(%dma_start3A_90 : memref<64x128xf32, #tpu.memory_space<vmem>>) offsets(%dma_start3A_92 : memref<64xi32, #tpu.memory_space<vmem>>) semaphore(%arg11 : memref<!tpu.dma_semaphore, #tpu.memory_space<semaphore_mem>>)
    %dma_start3A_96 = arith.constant 1 : i32
    %dma_start3A_97 = arith.constant 0 : i32
    %dma_start3A_98 = arith.constant 0 : i32
    %dma_start3A_99 = tpu.memref_slice %arg8[%dma_start3A_96, %dma_start3A_97, %dma_start3A_98] : memref<3x64x128xf32, #tpu.memory_space<vmem>> -> memref<1x64x128xf32, #tpu.memory_space<vmem>>
    %dma_start3A_100 = tpu.memref_squeeze %dma_start3A_99 : memref<1x64x128xf32, #tpu.memory_space<vmem>> -> memref<64x128xf32, #tpu.memory_space<vmem>>
    %dma_start3A_101 = arith.constant 64 : i32
    %dma_start3A_102 = tpu.memref_slice %arg6[%dma_start3A_101] : memref<10000xi32, #tpu.memory_space<vmem>> -> memref<64xi32, #tpu.memory_space<vmem>>
    %dma_start3A_103 = arith.constant 0 : i32
    %dma_start3A_104 = arith.constant 0 : i32
    %dma_start3A_105 = tpu.memref_slice %arg2[%dma_start3A_103, %dma_start3A_104] : memref<10000x128xf32, #tpu.memory_space<hbm>> -> memref<10000x128xf32, #tpu.memory_space<hbm>>
    tpu.enqueue_indirect_dma source(%dma_start3A_105 : memref<10000x128xf32, #tpu.memory_space<hbm>>) target(%dma_start3A_100 : memref<64x128xf32, #tpu.memory_space<vmem>>) offsets(%dma_start3A_102 : memref<64xi32, #tpu.memory_space<vmem>>) semaphore(%arg12 : memref<!tpu.dma_semaphore, #tpu.memory_space<semaphore_mem>>)
    %dma_start3A_106 = arith.constant 2 : i32
    %dma_start3A_107 = arith.constant 0 : i32
    %dma_start3A_108 = arith.constant 0 : i32
    %dma_start3A_109 = tpu.memref_slice %arg8[%dma_start3A_106, %dma_start3A_107, %dma_start3A_108] : memref<3x64x128xf32, #tpu.memory_space<vmem>> -> memref<1x64x128xf32, #tpu.memory_space<vmem>>
    %dma_start3A_110 = tpu.memref_squeeze %dma_start3A_109 : memref<1x64x128xf32, #tpu.memory_space<vmem>> -> memref<64x128xf32, #tpu.memory_space<vmem>>
    %dma_start3A_111 = arith.constant 128 : i32
    %dma_start3A_112 = tpu.memref_slice %arg6[%dma_start3A_111] : memref<10000xi32, #tpu.memory_space<vmem>> -> memref<64xi32, #tpu.memory_space<vmem>>
    %dma_start3A_113 = arith.constant 0 : i32
    %dma_start3A_114 = arith.constant 0 : i32
    %dma_start3A_115 = tpu.memref_slice %arg2[%dma_start3A_113, %dma_start3A_114] : memref<10000x128xf32, #tpu.memory_space<hbm>> -> memref<10000x128xf32, #tpu.memory_space<hbm>>
    tpu.enqueue_indirect_dma source(%dma_start3A_115 : memref<10000x128xf32, #tpu.memory_space<hbm>>) target(%dma_start3A_110 : memref<64x128xf32, #tpu.memory_space<vmem>>) offsets(%dma_start3A_112 : memref<64xi32, #tpu.memory_space<vmem>>) semaphore(%arg13 : memref<!tpu.dma_semaphore, #tpu.memory_space<semaphore_mem>>)
    %scan3A_116 = arith.constant 0 : i32
    %scan3A_117 = arith.constant 0 : i32
    %scan3A_118 = arith.constant 52 : i32
    %scan3A_119 = arith.addi %scan3A_117, %scan3A_118 : i32
    %scan3A_120 = arith.constant 1 : i32
    %scan3A_121 = scf.for %scan3A_134 = %scan3A_117 to %scan3A_119 step %scan3A_120 iter_args(%scan3A_135 = %scan3A_116) -> (i32)  : i32 {
      %mul3A_136 = arith.constant 3 : i32
      %mul3A_137 = arith.muli %scan3A_134, %mul3A_136 : i32
      %add3A_138 = arith.constant 0 : i32
      %add3A_139 = arith.addi %mul3A_137, %add3A_138 : i32
      %mul3A_140 = arith.constant 64 : i32
      %mul3A_141 = arith.muli %add3A_139, %mul3A_140 : i32
      %dma_wait3A = arith.constant 0 : i32
      %dma_wait3A_142 = arith.constant 0 : i32
      %dma_wait3A_143 = arith.constant 0 : i32
      %dma_wait3A_144 = tpu.memref_slice %arg8[%dma_wait3A, %dma_wait3A_142, %dma_wait3A_143] : memref<3x64x128xf32, #tpu.memory_space<vmem>> -> memref<1x64x128xf32, #tpu.memory_space<vmem>>
      %dma_wait3A_145 = tpu.memref_squeeze %dma_wait3A_144 : memref<1x64x128xf32, #tpu.memory_space<vmem>> -> memref<64x128xf32, #tpu.memory_space<vmem>>
      %dma_wait3A_146 = tpu.memref_slice %arg6[%mul3A_141] : memref<10000xi32, #tpu.memory_space<vmem>> -> memref<64xi32, #tpu.memory_space<vmem>>
      %dma_wait3A_147 = arith.constant 0 : i32
      %dma_wait3A_148 = arith.constant 0 : i32
      %dma_wait3A_149 = tpu.memref_slice %arg2[%dma_wait3A_147, %dma_wait3A_148] : memref<10000x128xf32, #tpu.memory_space<hbm>> -> memref<10000x128xf32, #tpu.memory_space<hbm>>
      tpu.wait_indirect_dma semaphore(%arg11 : memref<!tpu.dma_semaphore, #tpu.memory_space<semaphore_mem>>) src(%dma_wait3A_149 : memref<10000x128xf32, #tpu.memory_space<hbm>>) dst(%dma_wait3A_145 : memref<64x128xf32, #tpu.memory_space<vmem>>)
      %mul3A_150 = arith.constant 64 : i32
      %mul3A_151 = arith.muli %add3A_139, %mul3A_150 : i32
      %run_scoped3A_152 = arith.constant 0 : i32
      "tpu.region"() ({
        %run_scoped3A_214 = tpu.sem_alloc : memref<!tpu.dma_semaphore, #tpu.memory_space<semaphore_mem>>
        %dma_start3A_215 = arith.constant 0 : i32
        %dma_start3A_216 = arith.constant 0 : i32
        %dma_start3A_217 = tpu.memref_slice %arg8[%run_scoped3A_152, %dma_start3A_215, %dma_start3A_216] : memref<3x64x128xf32, #tpu.memory_space<vmem>> -> memref<1x64x128xf32, #tpu.memory_space<vmem>>
        %dma_start3A_218 = tpu.memref_squeeze %dma_start3A_217 : memref<1x64x128xf32, #tpu.memory_space<vmem>> -> memref<64x128xf32, #tpu.memory_space<vmem>>
        %dma_start3A_219 = tpu.memref_slice %arg7[%mul3A_151] : memref<10000xi32, #tpu.memory_space<vmem>> -> memref<64xi32, #tpu.memory_space<vmem>>
        %dma_start3A_220 = arith.constant 0 : i32
        %dma_start3A_221 = arith.constant 0 : i32
        %dma_start3A_222 = tpu.memref_slice %arg14[%dma_start3A_220, %dma_start3A_221] : memref<10240x128xf32, #tpu.memory_space<vmem_shared>> -> memref<10240x128xf32, #tpu.memory_space<vmem_shared>>
        tpu.enqueue_indirect_dma source(%dma_start3A_218 : memref<64x128xf32, #tpu.memory_space<vmem>>) target(%dma_start3A_222 : memref<10240x128xf32, #tpu.memory_space<vmem_shared>>) offsets(%dma_start3A_219 : memref<64xi32, #tpu.memory_space<vmem>>) semaphore(%run_scoped3A_214 : memref<!tpu.dma_semaphore, #tpu.memory_space<semaphore_mem>>) {add = true}
        %dma_wait3A_223 = arith.constant 0 : i32
        %dma_wait3A_224 = arith.constant 0 : i32
        %dma_wait3A_225 = tpu.memref_slice %arg8[%run_scoped3A_152, %dma_wait3A_223, %dma_wait3A_224] : memref<3x64x128xf32, #tpu.memory_space<vmem>> -> memref<1x64x128xf32, #tpu.memory_space<vmem>>
        %dma_wait3A_226 = tpu.memref_squeeze %dma_wait3A_225 : memref<1x64x128xf32, #tpu.memory_space<vmem>> -> memref<64x128xf32, #tpu.memory_space<vmem>>
        %dma_wait3A_227 = tpu.memref_slice %arg7[%mul3A_151] : memref<10000xi32, #tpu.memory_space<vmem>> -> memref<64xi32, #tpu.memory_space<vmem>>
        %dma_wait3A_228 = arith.constant 0 : i32
        %dma_wait3A_229 = arith.constant 0 : i32
        %dma_wait3A_230 = tpu.memref_slice %arg14[%dma_wait3A_228, %dma_wait3A_229] : memref<10240x128xf32, #tpu.memory_space<vmem_shared>> -> memref<10240x128xf32, #tpu.memory_space<vmem_shared>>
        tpu.wait_indirect_dma semaphore(%run_scoped3A_214 : memref<!tpu.dma_semaphore, #tpu.memory_space<semaphore_mem>>) src(%dma_wait3A_226 : memref<64x128xf32, #tpu.memory_space<vmem>>) dst(%dma_wait3A_230 : memref<10240x128xf32, #tpu.memory_space<vmem_shared>>)
        tpu.yield
      }) : () -> ()
      %mul3A_153 = arith.constant 64 : i32
      %mul3A_154 = arith.muli %add3A_139, %mul3A_153 : i32
      "tpu.region"() ({
        %run_scoped3A_214 = tpu.sem_alloc : memref<!tpu.dma_semaphore, #tpu.memory_space<semaphore_mem>>
        %dma_start3A_215 = tpu.memref_slice %arg7[%mul3A_154] : memref<10000xi32, #tpu.memory_space<vmem>> -> memref<64xi32, #tpu.memory_space<vmem>>
        %dma_start3A_216 = arith.constant 0 : i32
        %dma_start3A_217 = tpu.memref_slice %arg15[%dma_start3A_216] : memref<10240xf32, #tpu.memory_space<vmem_shared>> -> memref<10240xf32, #tpu.memory_space<vmem_shared>>
        tpu.enqueue_indirect_dma source(%arg9 : memref<64xf32, #tpu.memory_space<vmem>>) target(%dma_start3A_217 : memref<10240xf32, #tpu.memory_space<vmem_shared>>) offsets(%dma_start3A_215 : memref<64xi32, #tpu.memory_space<vmem>>) semaphore(%run_scoped3A_214 : memref<!tpu.dma_semaphore, #tpu.memory_space<semaphore_mem>>) {add = true}
        %dma_wait3A_218 = tpu.memref_slice %arg7[%mul3A_154] : memref<10000xi32, #tpu.memory_space<vmem>> -> memref<64xi32, #tpu.memory_space<vmem>>
        %dma_wait3A_219 = arith.constant 0 : i32
        %dma_wait3A_220 = tpu.memref_slice %arg15[%dma_wait3A_219] : memref<10240xf32, #tpu.memory_space<vmem_shared>> -> memref<10240xf32, #tpu.memory_space<vmem_shared>>
        tpu.wait_indirect_dma semaphore(%run_scoped3A_214 : memref<!tpu.dma_semaphore, #tpu.memory_space<semaphore_mem>>) src(%arg9 : memref<64xf32, #tpu.memory_space<vmem>>) dst(%dma_wait3A_220 : memref<10240xf32, #tpu.memory_space<vmem_shared>>)
        tpu.yield
      }) : () -> ()
      %add3A_155 = arith.constant 3 : i32
      %add3A_156 = arith.addi %add3A_139, %add3A_155 : i32
      %lt3A = arith.constant 156 : i32
      %lt3A_157 = arith.cmpi slt, %add3A_156, %lt3A : i32
      %convert_element_type3A = arith.extui %lt3A_157 : i1 to i32
      %cond3A = arith.constant 0 : i32
      %cond3A_158 = arith.cmpi ne, %convert_element_type3A, %cond3A : i32
      scf.if %cond3A_158 {
        %add3A_214 = arith.constant 3 : i32
        %add3A_215 = arith.addi %add3A_139, %add3A_214 : i32
        %mul3A_216 = arith.constant 64 : i32
        %mul3A_217 = arith.muli %add3A_215, %mul3A_216 : i32
        %dma_start3A_218 = arith.constant 0 : i32
        %dma_start3A_219 = arith.constant 0 : i32
        %dma_start3A_220 = arith.constant 0 : i32
        %dma_start3A_221 = tpu.memref_slice %arg8[%dma_start3A_218, %dma_start3A_219, %dma_start3A_220] : memref<3x64x128xf32, #tpu.memory_space<vmem>> -> memref<1x64x128xf32, #tpu.memory_space<vmem>>
        %dma_start3A_222 = tpu.memref_squeeze %dma_start3A_221 : memref<1x64x128xf32, #tpu.memory_space<vmem>> -> memref<64x128xf32, #tpu.memory_space<vmem>>
        %dma_start3A_223 = tpu.memref_slice %arg6[%mul3A_217] : memref<10000xi32, #tpu.memory_space<vmem>> -> memref<64xi32, #tpu.memory_space<vmem>>
        %dma_start3A_224 = arith.constant 0 : i32
        %dma_start3A_225 = arith.constant 0 : i32
        %dma_start3A_226 = tpu.memref_slice %arg2[%dma_start3A_224, %dma_start3A_225] : memref<10000x128xf32, #tpu.memory_space<hbm>> -> memref<10000x128xf32, #tpu.memory_space<hbm>>
        tpu.enqueue_indirect_dma source(%dma_start3A_226 : memref<10000x128xf32, #tpu.memory_space<hbm>>) target(%dma_start3A_222 : memref<64x128xf32, #tpu.memory_space<vmem>>) offsets(%dma_start3A_223 : memref<64xi32, #tpu.memory_space<vmem>>) semaphore(%arg11 : memref<!tpu.dma_semaphore, #tpu.memory_space<semaphore_mem>>)
      } else {
      }
      %mul3A_159 = arith.constant 3 : i32
      %mul3A_160 = arith.muli %scan3A_134, %mul3A_159 : i32
      %add3A_161 = arith.constant 1 : i32
      %add3A_162 = arith.addi %mul3A_160, %add3A_161 : i32
      %mul3A_163 = arith.constant 64 : i32
      %mul3A_164 = arith.muli %add3A_162, %mul3A_163 : i32
      %dma_wait3A_165 = arith.constant 1 : i32
      %dma_wait3A_166 = arith.constant 0 : i32
      %dma_wait3A_167 = arith.constant 0 : i32
      %dma_wait3A_168 = tpu.memref_slice %arg8[%dma_wait3A_165, %dma_wait3A_166, %dma_wait3A_167] : memref<3x64x128xf32, #tpu.memory_space<vmem>> -> memref<1x64x128xf32, #tpu.memory_space<vmem>>
      %dma_wait3A_169 = tpu.memref_squeeze %dma_wait3A_168 : memref<1x64x128xf32, #tpu.memory_space<vmem>> -> memref<64x128xf32, #tpu.memory_space<vmem>>
      %dma_wait3A_170 = tpu.memref_slice %arg6[%mul3A_164] : memref<10000xi32, #tpu.memory_space<vmem>> -> memref<64xi32, #tpu.memory_space<vmem>>
      %dma_wait3A_171 = arith.constant 0 : i32
      %dma_wait3A_172 = arith.constant 0 : i32
      %dma_wait3A_173 = tpu.memref_slice %arg2[%dma_wait3A_171, %dma_wait3A_172] : memref<10000x128xf32, #tpu.memory_space<hbm>> -> memref<10000x128xf32, #tpu.memory_space<hbm>>
      tpu.wait_indirect_dma semaphore(%arg12 : memref<!tpu.dma_semaphore, #tpu.memory_space<semaphore_mem>>) src(%dma_wait3A_173 : memref<10000x128xf32, #tpu.memory_space<hbm>>) dst(%dma_wait3A_169 : memref<64x128xf32, #tpu.memory_space<vmem>>)
      %mul3A_174 = arith.constant 64 : i32
      %mul3A_175 = arith.muli %add3A_162, %mul3A_174 : i32
      %run_scoped3A_176 = arith.constant 1 : i32
      "tpu.region"() ({
        %run_scoped3A_214 = tpu.sem_alloc : memref<!tpu.dma_semaphore, #tpu.memory_space<semaphore_mem>>
        %dma_start3A_215 = arith.constant 0 : i32
        %dma_start3A_216 = arith.constant 0 : i32
        %dma_start3A_217 = tpu.memref_slice %arg8[%run_scoped3A_176, %dma_start3A_215, %dma_start3A_216] : memref<3x64x128xf32, #tpu.memory_space<vmem>> -> memref<1x64x128xf32, #tpu.memory_space<vmem>>
        %dma_start3A_218 = tpu.memref_squeeze %dma_start3A_217 : memref<1x64x128xf32, #tpu.memory_space<vmem>> -> memref<64x128xf32, #tpu.memory_space<vmem>>
        %dma_start3A_219 = tpu.memref_slice %arg7[%mul3A_175] : memref<10000xi32, #tpu.memory_space<vmem>> -> memref<64xi32, #tpu.memory_space<vmem>>
        %dma_start3A_220 = arith.constant 0 : i32
        %dma_start3A_221 = arith.constant 0 : i32
        %dma_start3A_222 = tpu.memref_slice %arg14[%dma_start3A_220, %dma_start3A_221] : memref<10240x128xf32, #tpu.memory_space<vmem_shared>> -> memref<10240x128xf32, #tpu.memory_space<vmem_shared>>
        tpu.enqueue_indirect_dma source(%dma_start3A_218 : memref<64x128xf32, #tpu.memory_space<vmem>>) target(%dma_start3A_222 : memref<10240x128xf32, #tpu.memory_space<vmem_shared>>) offsets(%dma_start3A_219 : memref<64xi32, #tpu.memory_space<vmem>>) semaphore(%run_scoped3A_214 : memref<!tpu.dma_semaphore, #tpu.memory_space<semaphore_mem>>) {add = true}
        %dma_wait3A_223 = arith.constant 0 : i32
        %dma_wait3A_224 = arith.constant 0 : i32
        %dma_wait3A_225 = tpu.memref_slice %arg8[%run_scoped3A_176, %dma_wait3A_223, %dma_wait3A_224] : memref<3x64x128xf32, #tpu.memory_space<vmem>> -> memref<1x64x128xf32, #tpu.memory_space<vmem>>
        %dma_wait3A_226 = tpu.memref_squeeze %dma_wait3A_225 : memref<1x64x128xf32, #tpu.memory_space<vmem>> -> memref<64x128xf32, #tpu.memory_space<vmem>>
        %dma_wait3A_227 = tpu.memref_slice %arg7[%mul3A_175] : memref<10000xi32, #tpu.memory_space<vmem>> -> memref<64xi32, #tpu.memory_space<vmem>>
        %dma_wait3A_228 = arith.constant 0 : i32
        %dma_wait3A_229 = arith.constant 0 : i32
        %dma_wait3A_230 = tpu.memref_slice %arg14[%dma_wait3A_228, %dma_wait3A_229] : memref<10240x128xf32, #tpu.memory_space<vmem_shared>> -> memref<10240x128xf32, #tpu.memory_space<vmem_shared>>
        tpu.wait_indirect_dma semaphore(%run_scoped3A_214 : memref<!tpu.dma_semaphore, #tpu.memory_space<semaphore_mem>>) src(%dma_wait3A_226 : memref<64x128xf32, #tpu.memory_space<vmem>>) dst(%dma_wait3A_230 : memref<10240x128xf32, #tpu.memory_space<vmem_shared>>)
        tpu.yield
      }) : () -> ()
      %mul3A_177 = arith.constant 64 : i32
      %mul3A_178 = arith.muli %add3A_162, %mul3A_177 : i32
      "tpu.region"() ({
        %run_scoped3A_214 = tpu.sem_alloc : memref<!tpu.dma_semaphore, #tpu.memory_space<semaphore_mem>>
        %dma_start3A_215 = tpu.memref_slice %arg7[%mul3A_178] : memref<10000xi32, #tpu.memory_space<vmem>> -> memref<64xi32, #tpu.memory_space<vmem>>
        %dma_start3A_216 = arith.constant 0 : i32
        %dma_start3A_217 = tpu.memref_slice %arg15[%dma_start3A_216] : memref<10240xf32, #tpu.memory_space<vmem_shared>> -> memref<10240xf32, #tpu.memory_space<vmem_shared>>
        tpu.enqueue_indirect_dma source(%arg9 : memref<64xf32, #tpu.memory_space<vmem>>) target(%dma_start3A_217 : memref<10240xf32, #tpu.memory_space<vmem_shared>>) offsets(%dma_start3A_215 : memref<64xi32, #tpu.memory_space<vmem>>) semaphore(%run_scoped3A_214 : memref<!tpu.dma_semaphore, #tpu.memory_space<semaphore_mem>>) {add = true}
        %dma_wait3A_218 = tpu.memref_slice %arg7[%mul3A_178] : memref<10000xi32, #tpu.memory_space<vmem>> -> memref<64xi32, #tpu.memory_space<vmem>>
        %dma_wait3A_219 = arith.constant 0 : i32
        %dma_wait3A_220 = tpu.memref_slice %arg15[%dma_wait3A_219] : memref<10240xf32, #tpu.memory_space<vmem_shared>> -> memref<10240xf32, #tpu.memory_space<vmem_shared>>
        tpu.wait_indirect_dma semaphore(%run_scoped3A_214 : memref<!tpu.dma_semaphore, #tpu.memory_space<semaphore_mem>>) src(%arg9 : memref<64xf32, #tpu.memory_space<vmem>>) dst(%dma_wait3A_220 : memref<10240xf32, #tpu.memory_space<vmem_shared>>)
        tpu.yield
      }) : () -> ()
      %add3A_179 = arith.constant 3 : i32
      %add3A_180 = arith.addi %add3A_162, %add3A_179 : i32
      %lt3A_181 = arith.constant 156 : i32
      %lt3A_182 = arith.cmpi slt, %add3A_180, %lt3A_181 : i32
      %convert_element_type3A_183 = arith.extui %lt3A_182 : i1 to i32
      %cond3A_184 = arith.constant 0 : i32
      %cond3A_185 = arith.cmpi ne, %convert_element_type3A_183, %cond3A_184 : i32
      scf.if %cond3A_185 {
        %add3A_214 = arith.constant 3 : i32
        %add3A_215 = arith.addi %add3A_162, %add3A_214 : i32
        %mul3A_216 = arith.constant 64 : i32
        %mul3A_217 = arith.muli %add3A_215, %mul3A_216 : i32
        %dma_start3A_218 = arith.constant 1 : i32
        %dma_start3A_219 = arith.constant 0 : i32
        %dma_start3A_220 = arith.constant 0 : i32
        %dma_start3A_221 = tpu.memref_slice %arg8[%dma_start3A_218, %dma_start3A_219, %dma_start3A_220] : memref<3x64x128xf32, #tpu.memory_space<vmem>> -> memref<1x64x128xf32, #tpu.memory_space<vmem>>
        %dma_start3A_222 = tpu.memref_squeeze %dma_start3A_221 : memref<1x64x128xf32, #tpu.memory_space<vmem>> -> memref<64x128xf32, #tpu.memory_space<vmem>>
        %dma_start3A_223 = tpu.memref_slice %arg6[%mul3A_217] : memref<10000xi32, #tpu.memory_space<vmem>> -> memref<64xi32, #tpu.memory_space<vmem>>
        %dma_start3A_224 = arith.constant 0 : i32
        %dma_start3A_225 = arith.constant 0 : i32
        %dma_start3A_226 = tpu.memref_slice %arg2[%dma_start3A_224, %dma_start3A_225] : memref<10000x128xf32, #tpu.memory_space<hbm>> -> memref<10000x128xf32, #tpu.memory_space<hbm>>
        tpu.enqueue_indirect_dma source(%dma_start3A_226 : memref<10000x128xf32, #tpu.memory_space<hbm>>) target(%dma_start3A_222 : memref<64x128xf32, #tpu.memory_space<vmem>>) offsets(%dma_start3A_223 : memref<64xi32, #tpu.memory_space<vmem>>) semaphore(%arg12 : memref<!tpu.dma_semaphore, #tpu.memory_space<semaphore_mem>>)
      } else {
      }
      %mul3A_186 = arith.constant 3 : i32
      %mul3A_187 = arith.muli %scan3A_134, %mul3A_186 : i32
      %add3A_188 = arith.constant 2 : i32
      %add3A_189 = arith.addi %mul3A_187, %add3A_188 : i32
      %mul3A_190 = arith.constant 64 : i32
      %mul3A_191 = arith.muli %add3A_189, %mul3A_190 : i32
      %dma_wait3A_192 = arith.constant 2 : i32
      %dma_wait3A_193 = arith.constant 0 : i32
      %dma_wait3A_194 = arith.constant 0 : i32
      %dma_wait3A_195 = tpu.memref_slice %arg8[%dma_wait3A_192, %dma_wait3A_193, %dma_wait3A_194] : memref<3x64x128xf32, #tpu.memory_space<vmem>> -> memref<1x64x128xf32, #tpu.memory_space<vmem>>
      %dma_wait3A_196 = tpu.memref_squeeze %dma_wait3A_195 : memref<1x64x128xf32, #tpu.memory_space<vmem>> -> memref<64x128xf32, #tpu.memory_space<vmem>>
      %dma_wait3A_197 = tpu.memref_slice %arg6[%mul3A_191] : memref<10000xi32, #tpu.memory_space<vmem>> -> memref<64xi32, #tpu.memory_space<vmem>>
      %dma_wait3A_198 = arith.constant 0 : i32
      %dma_wait3A_199 = arith.constant 0 : i32
      %dma_wait3A_200 = tpu.memref_slice %arg2[%dma_wait3A_198, %dma_wait3A_199] : memref<10000x128xf32, #tpu.memory_space<hbm>> -> memref<10000x128xf32, #tpu.memory_space<hbm>>
      tpu.wait_indirect_dma semaphore(%arg13 : memref<!tpu.dma_semaphore, #tpu.memory_space<semaphore_mem>>) src(%dma_wait3A_200 : memref<10000x128xf32, #tpu.memory_space<hbm>>) dst(%dma_wait3A_196 : memref<64x128xf32, #tpu.memory_space<vmem>>)
      %mul3A_201 = arith.constant 64 : i32
      %mul3A_202 = arith.muli %add3A_189, %mul3A_201 : i32
      %run_scoped3A_203 = arith.constant 2 : i32
      "tpu.region"() ({
        %run_scoped3A_214 = tpu.sem_alloc : memref<!tpu.dma_semaphore, #tpu.memory_space<semaphore_mem>>
        %dma_start3A_215 = arith.constant 0 : i32
        %dma_start3A_216 = arith.constant 0 : i32
        %dma_start3A_217 = tpu.memref_slice %arg8[%run_scoped3A_203, %dma_start3A_215, %dma_start3A_216] : memref<3x64x128xf32, #tpu.memory_space<vmem>> -> memref<1x64x128xf32, #tpu.memory_space<vmem>>
        %dma_start3A_218 = tpu.memref_squeeze %dma_start3A_217 : memref<1x64x128xf32, #tpu.memory_space<vmem>> -> memref<64x128xf32, #tpu.memory_space<vmem>>
        %dma_start3A_219 = tpu.memref_slice %arg7[%mul3A_202] : memref<10000xi32, #tpu.memory_space<vmem>> -> memref<64xi32, #tpu.memory_space<vmem>>
        %dma_start3A_220 = arith.constant 0 : i32
        %dma_start3A_221 = arith.constant 0 : i32
        %dma_start3A_222 = tpu.memref_slice %arg14[%dma_start3A_220, %dma_start3A_221] : memref<10240x128xf32, #tpu.memory_space<vmem_shared>> -> memref<10240x128xf32, #tpu.memory_space<vmem_shared>>
        tpu.enqueue_indirect_dma source(%dma_start3A_218 : memref<64x128xf32, #tpu.memory_space<vmem>>) target(%dma_start3A_222 : memref<10240x128xf32, #tpu.memory_space<vmem_shared>>) offsets(%dma_start3A_219 : memref<64xi32, #tpu.memory_space<vmem>>) semaphore(%run_scoped3A_214 : memref<!tpu.dma_semaphore, #tpu.memory_space<semaphore_mem>>) {add = true}
        %dma_wait3A_223 = arith.constant 0 : i32
        %dma_wait3A_224 = arith.constant 0 : i32
        %dma_wait3A_225 = tpu.memref_slice %arg8[%run_scoped3A_203, %dma_wait3A_223, %dma_wait3A_224] : memref<3x64x128xf32, #tpu.memory_space<vmem>> -> memref<1x64x128xf32, #tpu.memory_space<vmem>>
        %dma_wait3A_226 = tpu.memref_squeeze %dma_wait3A_225 : memref<1x64x128xf32, #tpu.memory_space<vmem>> -> memref<64x128xf32, #tpu.memory_space<vmem>>
        %dma_wait3A_227 = tpu.memref_slice %arg7[%mul3A_202] : memref<10000xi32, #tpu.memory_space<vmem>> -> memref<64xi32, #tpu.memory_space<vmem>>
        %dma_wait3A_228 = arith.constant 0 : i32
        %dma_wait3A_229 = arith.constant 0 : i32
        %dma_wait3A_230 = tpu.memref_slice %arg14[%dma_wait3A_228, %dma_wait3A_229] : memref<10240x128xf32, #tpu.memory_space<vmem_shared>> -> memref<10240x128xf32, #tpu.memory_space<vmem_shared>>
        tpu.wait_indirect_dma semaphore(%run_scoped3A_214 : memref<!tpu.dma_semaphore, #tpu.memory_space<semaphore_mem>>) src(%dma_wait3A_226 : memref<64x128xf32, #tpu.memory_space<vmem>>) dst(%dma_wait3A_230 : memref<10240x128xf32, #tpu.memory_space<vmem_shared>>)
        tpu.yield
      }) : () -> ()
      %mul3A_204 = arith.constant 64 : i32
      %mul3A_205 = arith.muli %add3A_189, %mul3A_204 : i32
      "tpu.region"() ({
        %run_scoped3A_214 = tpu.sem_alloc : memref<!tpu.dma_semaphore, #tpu.memory_space<semaphore_mem>>
        %dma_start3A_215 = tpu.memref_slice %arg7[%mul3A_205] : memref<10000xi32, #tpu.memory_space<vmem>> -> memref<64xi32, #tpu.memory_space<vmem>>
        %dma_start3A_216 = arith.constant 0 : i32
        %dma_start3A_217 = tpu.memref_slice %arg15[%dma_start3A_216] : memref<10240xf32, #tpu.memory_space<vmem_shared>> -> memref<10240xf32, #tpu.memory_space<vmem_shared>>
        tpu.enqueue_indirect_dma source(%arg9 : memref<64xf32, #tpu.memory_space<vmem>>) target(%dma_start3A_217 : memref<10240xf32, #tpu.memory_space<vmem_shared>>) offsets(%dma_start3A_215 : memref<64xi32, #tpu.memory_space<vmem>>) semaphore(%run_scoped3A_214 : memref<!tpu.dma_semaphore, #tpu.memory_space<semaphore_mem>>) {add = true}
        %dma_wait3A_218 = tpu.memref_slice %arg7[%mul3A_205] : memref<10000xi32, #tpu.memory_space<vmem>> -> memref<64xi32, #tpu.memory_space<vmem>>
        %dma_wait3A_219 = arith.constant 0 : i32
        %dma_wait3A_220 = tpu.memref_slice %arg15[%dma_wait3A_219] : memref<10240xf32, #tpu.memory_space<vmem_shared>> -> memref<10240xf32, #tpu.memory_space<vmem_shared>>
        tpu.wait_indirect_dma semaphore(%run_scoped3A_214 : memref<!tpu.dma_semaphore, #tpu.memory_space<semaphore_mem>>) src(%arg9 : memref<64xf32, #tpu.memory_space<vmem>>) dst(%dma_wait3A_220 : memref<10240xf32, #tpu.memory_space<vmem_shared>>)
        tpu.yield
      }) : () -> ()
      %add3A_206 = arith.constant 3 : i32
      %add3A_207 = arith.addi %add3A_189, %add3A_206 : i32
      %lt3A_208 = arith.constant 156 : i32
      %lt3A_209 = arith.cmpi slt, %add3A_207, %lt3A_208 : i32
      %convert_element_type3A_210 = arith.extui %lt3A_209 : i1 to i32
      %cond3A_211 = arith.constant 0 : i32
      %cond3A_212 = arith.cmpi ne, %convert_element_type3A_210, %cond3A_211 : i32
      scf.if %cond3A_212 {
        %add3A_214 = arith.constant 3 : i32
        %add3A_215 = arith.addi %add3A_189, %add3A_214 : i32
        %mul3A_216 = arith.constant 64 : i32
        %mul3A_217 = arith.muli %add3A_215, %mul3A_216 : i32
        %dma_start3A_218 = arith.constant 2 : i32
        %dma_start3A_219 = arith.constant 0 : i32
        %dma_start3A_220 = arith.constant 0 : i32
        %dma_start3A_221 = tpu.memref_slice %arg8[%dma_start3A_218, %dma_start3A_219, %dma_start3A_220] : memref<3x64x128xf32, #tpu.memory_space<vmem>> -> memref<1x64x128xf32, #tpu.memory_space<vmem>>
        %dma_start3A_222 = tpu.memref_squeeze %dma_start3A_221 : memref<1x64x128xf32, #tpu.memory_space<vmem>> -> memref<64x128xf32, #tpu.memory_space<vmem>>
        %dma_start3A_223 = tpu.memref_slice %arg6[%mul3A_217] : memref<10000xi32, #tpu.memory_space<vmem>> -> memref<64xi32, #tpu.memory_space<vmem>>
        %dma_start3A_224 = arith.constant 0 : i32
        %dma_start3A_225 = arith.constant 0 : i32
        %dma_start3A_226 = tpu.memref_slice %arg2[%dma_start3A_224, %dma_start3A_225] : memref<10000x128xf32, #tpu.memory_space<hbm>> -> memref<10000x128xf32, #tpu.memory_space<hbm>>
        tpu.enqueue_indirect_dma source(%dma_start3A_226 : memref<10000x128xf32, #tpu.memory_space<hbm>>) target(%dma_start3A_222 : memref<64x128xf32, #tpu.memory_space<vmem>>) offsets(%dma_start3A_223 : memref<64xi32, #tpu.memory_space<vmem>>) semaphore(%arg13 : memref<!tpu.dma_semaphore, #tpu.memory_space<semaphore_mem>>)
      } else {
      }
      %scan3A_213 = arith.constant 0 : i32
      scf.yield %scan3A_213 : i32
    }
    %scan3A_122 = arith.constant 52 : i32
    %run_scoped3A_123 = arith.constant 0 : i32
    "tpu.region"() ({
      %run_scoped3A_134 = tpu.sem_alloc : memref<!tpu.dma_semaphore, #tpu.memory_space<semaphore_mem>>
      %dma_start3A_135 = arith.constant 0 : i32
      %dma_start3A_136 = arith.constant 0 : i32
      %dma_start3A_137 = tpu.memref_slice %arg8[%run_scoped3A_123, %dma_start3A_135, %dma_start3A_136] : memref<3x64x128xf32, #tpu.memory_space<vmem>> -> memref<1x16x128xf32, #tpu.memory_space<vmem>>
      %dma_start3A_138 = tpu.memref_squeeze %dma_start3A_137 : memref<1x16x128xf32, #tpu.memory_space<vmem>> -> memref<16x128xf32, #tpu.memory_space<vmem>>
      %dma_start3A_139 = arith.constant 9984 : i32
      %dma_start3A_140 = tpu.memref_slice %arg6[%dma_start3A_139] : memref<10000xi32, #tpu.memory_space<vmem>> -> memref<16xi32, #tpu.memory_space<vmem>>
      %dma_start3A_141 = arith.constant 0 : i32
      %dma_start3A_142 = arith.constant 0 : i32
      %dma_start3A_143 = tpu.memref_slice %arg2[%dma_start3A_141, %dma_start3A_142] : memref<10000x128xf32, #tpu.memory_space<hbm>> -> memref<10000x128xf32, #tpu.memory_space<hbm>>
      tpu.enqueue_indirect_dma source(%dma_start3A_143 : memref<10000x128xf32, #tpu.memory_space<hbm>>) target(%dma_start3A_138 : memref<16x128xf32, #tpu.memory_space<vmem>>) offsets(%dma_start3A_140 : memref<16xi32, #tpu.memory_space<vmem>>) semaphore(%run_scoped3A_134 : memref<!tpu.dma_semaphore, #tpu.memory_space<semaphore_mem>>)
      %dma_wait3A = arith.constant 0 : i32
      %dma_wait3A_144 = arith.constant 0 : i32
      %dma_wait3A_145 = tpu.memref_slice %arg8[%run_scoped3A_123, %dma_wait3A, %dma_wait3A_144] : memref<3x64x128xf32, #tpu.memory_space<vmem>> -> memref<1x16x128xf32, #tpu.memory_space<vmem>>
      %dma_wait3A_146 = tpu.memref_squeeze %dma_wait3A_145 : memref<1x16x128xf32, #tpu.memory_space<vmem>> -> memref<16x128xf32, #tpu.memory_space<vmem>>
      %dma_wait3A_147 = arith.constant 9984 : i32
      %dma_wait3A_148 = tpu.memref_slice %arg6[%dma_wait3A_147] : memref<10000xi32, #tpu.memory_space<vmem>> -> memref<16xi32, #tpu.memory_space<vmem>>
      %dma_wait3A_149 = arith.constant 0 : i32
      %dma_wait3A_150 = arith.constant 0 : i32
      %dma_wait3A_151 = tpu.memref_slice %arg2[%dma_wait3A_149, %dma_wait3A_150] : memref<10000x128xf32, #tpu.memory_space<hbm>> -> memref<10000x128xf32, #tpu.memory_space<hbm>>
      tpu.wait_indirect_dma semaphore(%run_scoped3A_134 : memref<!tpu.dma_semaphore, #tpu.memory_space<semaphore_mem>>) src(%dma_wait3A_151 : memref<10000x128xf32, #tpu.memory_space<hbm>>) dst(%dma_wait3A_146 : memref<16x128xf32, #tpu.memory_space<vmem>>)
      tpu.yield
    }) : () -> ()
    %run_scoped3A_124 = arith.constant 0 : i32
    "tpu.region"() ({
      %run_scoped3A_134 = tpu.sem_alloc : memref<!tpu.dma_semaphore, #tpu.memory_space<semaphore_mem>>
      %dma_start3A_135 = arith.constant 0 : i32
      %dma_start3A_136 = arith.constant 0 : i32
      %dma_start3A_137 = tpu.memref_slice %arg8[%run_scoped3A_124, %dma_start3A_135, %dma_start3A_136] : memref<3x64x128xf32, #tpu.memory_space<vmem>> -> memref<1x16x128xf32, #tpu.memory_space<vmem>>
      %dma_start3A_138 = tpu.memref_squeeze %dma_start3A_137 : memref<1x16x128xf32, #tpu.memory_space<vmem>> -> memref<16x128xf32, #tpu.memory_space<vmem>>
      %dma_start3A_139 = arith.constant 9984 : i32
      %dma_start3A_140 = tpu.memref_slice %arg7[%dma_start3A_139] : memref<10000xi32, #tpu.memory_space<vmem>> -> memref<16xi32, #tpu.memory_space<vmem>>
      %dma_start3A_141 = arith.constant 0 : i32
      %dma_start3A_142 = arith.constant 0 : i32
      %dma_start3A_143 = tpu.memref_slice %arg14[%dma_start3A_141, %dma_start3A_142] : memref<10240x128xf32, #tpu.memory_space<vmem_shared>> -> memref<10240x128xf32, #tpu.memory_space<vmem_shared>>
      tpu.enqueue_indirect_dma source(%dma_start3A_138 : memref<16x128xf32, #tpu.memory_space<vmem>>) target(%dma_start3A_143 : memref<10240x128xf32, #tpu.memory_space<vmem_shared>>) offsets(%dma_start3A_140 : memref<16xi32, #tpu.memory_space<vmem>>) semaphore(%run_scoped3A_134 : memref<!tpu.dma_semaphore, #tpu.memory_space<semaphore_mem>>) {add = true}
      %dma_wait3A = arith.constant 0 : i32
      %dma_wait3A_144 = arith.constant 0 : i32
      %dma_wait3A_145 = tpu.memref_slice %arg8[%run_scoped3A_124, %dma_wait3A, %dma_wait3A_144] : memref<3x64x128xf32, #tpu.memory_space<vmem>> -> memref<1x16x128xf32, #tpu.memory_space<vmem>>
      %dma_wait3A_146 = tpu.memref_squeeze %dma_wait3A_145 : memref<1x16x128xf32, #tpu.memory_space<vmem>> -> memref<16x128xf32, #tpu.memory_space<vmem>>
      %dma_wait3A_147 = arith.constant 9984 : i32
      %dma_wait3A_148 = tpu.memref_slice %arg7[%dma_wait3A_147] : memref<10000xi32, #tpu.memory_space<vmem>> -> memref<16xi32, #tpu.memory_space<vmem>>
      %dma_wait3A_149 = arith.constant 0 : i32
      %dma_wait3A_150 = arith.constant 0 : i32
      %dma_wait3A_151 = tpu.memref_slice %arg14[%dma_wait3A_149, %dma_wait3A_150] : memref<10240x128xf32, #tpu.memory_space<vmem_shared>> -> memref<10240x128xf32, #tpu.memory_space<vmem_shared>>
      tpu.wait_indirect_dma semaphore(%run_scoped3A_134 : memref<!tpu.dma_semaphore, #tpu.memory_space<semaphore_mem>>) src(%dma_wait3A_146 : memref<16x128xf32, #tpu.memory_space<vmem>>) dst(%dma_wait3A_151 : memref<10240x128xf32, #tpu.memory_space<vmem_shared>>)
      tpu.yield
    }) : () -> ()
    "tpu.region"() ({
      %run_scoped3A_134 = tpu.sem_alloc : memref<!tpu.dma_semaphore, #tpu.memory_space<semaphore_mem>>
      %dma_start3A_135 = arith.constant 0 : i32
      %dma_start3A_136 = tpu.memref_slice %arg9[%dma_start3A_135] : memref<64xf32, #tpu.memory_space<vmem>> -> memref<16xf32, #tpu.memory_space<vmem>>
      %dma_start3A_137 = arith.constant 9984 : i32
      %dma_start3A_138 = tpu.memref_slice %arg7[%dma_start3A_137] : memref<10000xi32, #tpu.memory_space<vmem>> -> memref<16xi32, #tpu.memory_space<vmem>>
      %dma_start3A_139 = arith.constant 0 : i32
      %dma_start3A_140 = tpu.memref_slice %arg15[%dma_start3A_139] : memref<10240xf32, #tpu.memory_space<vmem_shared>> -> memref<10240xf32, #tpu.memory_space<vmem_shared>>
      tpu.enqueue_indirect_dma source(%dma_start3A_136 : memref<16xf32, #tpu.memory_space<vmem>>) target(%dma_start3A_140 : memref<10240xf32, #tpu.memory_space<vmem_shared>>) offsets(%dma_start3A_138 : memref<16xi32, #tpu.memory_space<vmem>>) semaphore(%run_scoped3A_134 : memref<!tpu.dma_semaphore, #tpu.memory_space<semaphore_mem>>) {add = true}
      %dma_wait3A = arith.constant 0 : i32
      %dma_wait3A_141 = tpu.memref_slice %arg9[%dma_wait3A] : memref<64xf32, #tpu.memory_space<vmem>> -> memref<16xf32, #tpu.memory_space<vmem>>
      %dma_wait3A_142 = arith.constant 9984 : i32
      %dma_wait3A_143 = tpu.memref_slice %arg7[%dma_wait3A_142] : memref<10000xi32, #tpu.memory_space<vmem>> -> memref<16xi32, #tpu.memory_space<vmem>>
      %dma_wait3A_144 = arith.constant 0 : i32
      %dma_wait3A_145 = tpu.memref_slice %arg15[%dma_wait3A_144] : memref<10240xf32, #tpu.memory_space<vmem_shared>> -> memref<10240xf32, #tpu.memory_space<vmem_shared>>
      tpu.wait_indirect_dma semaphore(%run_scoped3A_134 : memref<!tpu.dma_semaphore, #tpu.memory_space<semaphore_mem>>) src(%dma_wait3A_141 : memref<16xf32, #tpu.memory_space<vmem>>) dst(%dma_wait3A_145 : memref<10240xf32, #tpu.memory_space<vmem_shared>>)
      tpu.yield
    }) : () -> ()
    %barrier3A_125 = arith.constant 0 : index
    tpu.barrier barrier_id(%barrier3A_125)
    %mul3A_126 = arith.constant 640 : i32
    %mul3A_127 = arith.muli %arg1, %mul3A_126 : i32
    %mul3A_128 = arith.constant 640 : i32
    %mul3A_129 = arith.muli %arg1, %mul3A_128 : i32
    "tpu.region"() ({
      %run_scoped3A_134 = tpu.sem_alloc : memref<!tpu.dma_semaphore, #tpu.memory_space<semaphore_mem>>
      %dma_start3A_135 = arith.constant 0 : i32
      %dma_start3A_136 = tpu.memref_slice %arg4[%arg0, %mul3A_129, %dma_start3A_135] : memref<2x10240x128xf32, #tpu.memory_space<hbm>> -> memref<1x640x128xf32, #tpu.memory_space<hbm>>
      %dma_start3A_137 = tpu.memref_squeeze %dma_start3A_136 : memref<1x640x128xf32, #tpu.memory_space<hbm>> -> memref<640x128xf32, #tpu.memory_space<hbm>>
      %dma_start3A_138 = arith.constant 0 : i32
      %dma_start3A_139 = tpu.memref_slice %arg14[%mul3A_127, %dma_start3A_138] : memref<10240x128xf32, #tpu.memory_space<vmem_shared>> -> memref<640x128xf32, #tpu.memory_space<vmem_shared>>
      tpu.enqueue_dma source(%dma_start3A_139 : memref<640x128xf32, #tpu.memory_space<vmem_shared>>) target(%dma_start3A_137 : memref<640x128xf32, #tpu.memory_space<hbm>>) target_semaphore(%run_scoped3A_134 : memref<!tpu.dma_semaphore, #tpu.memory_space<semaphore_mem>>)
      %dma_wait3A = arith.constant 0 : i32
      %dma_wait3A_140 = tpu.memref_slice %arg4[%arg0, %mul3A_129, %dma_wait3A] : memref<2x10240x128xf32, #tpu.memory_space<hbm>> -> memref<1x640x128xf32, #tpu.memory_space<hbm>>
      %dma_wait3A_141 = tpu.memref_squeeze %dma_wait3A_140 : memref<1x640x128xf32, #tpu.memory_space<hbm>> -> memref<640x128xf32, #tpu.memory_space<hbm>>
      %dma_wait3A_142 = arith.constant 0 : i32
      %dma_wait3A_143 = tpu.memref_slice %arg14[%mul3A_127, %dma_wait3A_142] : memref<10240x128xf32, #tpu.memory_space<vmem_shared>> -> memref<640x128xf32, #tpu.memory_space<vmem_shared>>
      tpu.wait_dma2 semaphore(%run_scoped3A_134 : memref<!tpu.dma_semaphore, #tpu.memory_space<semaphore_mem>>) src(%dma_wait3A_143 : memref<640x128xf32, #tpu.memory_space<vmem_shared>>) dst(%dma_wait3A_141 : memref<640x128xf32, #tpu.memory_space<hbm>>)
      tpu.yield
    }) : () -> ()
    %mul3A_130 = arith.constant 640 : i32
    %mul3A_131 = arith.muli %arg1, %mul3A_130 : i32
    %mul3A_132 = arith.constant 640 : i32
    %mul3A_133 = arith.muli %arg1, %mul3A_132 : i32
    "tpu.region"() ({
      %run_scoped3A_134 = tpu.sem_alloc : memref<!tpu.dma_semaphore, #tpu.memory_space<semaphore_mem>>
      %dma_start3A_135 = tpu.memref_slice %arg5[%arg0, %mul3A_133] : memref<2x10240xf32, #tpu.memory_space<hbm>> -> memref<1x640xf32, #tpu.memory_space<hbm>>
      %dma_start3A_136 = tpu.memref_squeeze %dma_start3A_135 : memref<1x640xf32, #tpu.memory_space<hbm>> -> memref<640xf32, #tpu.memory_space<hbm>>
      %dma_start3A_137 = tpu.memref_slice %arg15[%mul3A_131] : memref<10240xf32, #tpu.memory_space<vmem_shared>> -> memref<640xf32, #tpu.memory_space<vmem_shared>>
      tpu.enqueue_dma source(%dma_start3A_137 : memref<640xf32, #tpu.memory_space<vmem_shared>>) target(%dma_start3A_136 : memref<640xf32, #tpu.memory_space<hbm>>) target_semaphore(%run_scoped3A_134 : memref<!tpu.dma_semaphore, #tpu.memory_space<semaphore_mem>>)
      %dma_wait3A = tpu.memref_slice %arg5[%arg0, %mul3A_133] : memref<2x10240xf32, #tpu.memory_space<hbm>> -> memref<1x640xf32, #tpu.memory_space<hbm>>
      %dma_wait3A_138 = tpu.memref_squeeze %dma_wait3A : memref<1x640xf32, #tpu.memory_space<hbm>> -> memref<640xf32, #tpu.memory_space<hbm>>
      %dma_wait3A_139 = tpu.memref_slice %arg15[%mul3A_131] : memref<10240xf32, #tpu.memory_space<vmem_shared>> -> memref<640xf32, #tpu.memory_space<vmem_shared>>
      tpu.wait_dma2 semaphore(%run_scoped3A_134 : memref<!tpu.dma_semaphore, #tpu.memory_space<semaphore_mem>>) src(%dma_wait3A_139 : memref<640xf32, #tpu.memory_space<vmem_shared>>) dst(%dma_wait3A_138 : memref<640xf32, #tpu.memory_space<hbm>>)
      tpu.yield
    }) : () -> ()
    return
  }
}

module attributes {stable_mosaic.version = 14 : i64} {
  func.func @_tc_body(%arg0: i32, %arg1: memref<2x1024x128xf32, #tpu.memory_space<vmem>>, %arg2: memref<2x1024xf32, #tpu.memory_space<vmem>>, %arg3: memref<128x128xf32, #tpu.memory_space<vmem>>, %arg4: memref<1x128xf32, #tpu.memory_space<vmem>>, %arg5: memref<1024x128xf32, #tpu.memory_space<vmem>>) attributes {dimension_semantics = [#tpu.dimension_semantics<arbitrary>], iteration_bounds = array<i64: 10>, scalar_prefetch = 0 : i64, scratch_operands = 0 : i64, tpu.core_type = #tpu.core_type<tc>, window_params = [{transform_indices = @transform_0, window_bounds = array<i64: 2, 1024, 128>}, {transform_indices = @transform_1, window_bounds = array<i64: 2, 1024>}, {pipeline_mode = #tpu.pipeline_mode<synchronous>, transform_indices = @transform_2, window_bounds = array<i64: 128, 128>}, {pipeline_mode = #tpu.pipeline_mode<synchronous>, transform_indices = @transform_3, window_bounds = array<i64: 1, 128>}, {transform_indices = @transform_4, window_bounds = array<i64: 1024, 128>}]} {
    %get3A = arith.constant 0 : index
    %get3A_0 = arith.constant 0 : index
    %get3A_1 = arith.constant 0 : index
    %get3A_2 = vector.load %arg1[%get3A, %get3A_0, %get3A_1] : memref<2x1024x128xf32, #tpu.memory_space<vmem>>, vector<1x1024x128xf32>
    %get3A_3 = vector.shape_cast %get3A_2 : vector<1x1024x128xf32> to vector<1024x128xf32>
    %get3A_4 = arith.constant 1 : index
    %get3A_5 = arith.constant 0 : index
    %get3A_6 = arith.constant 0 : index
    %get3A_7 = vector.load %arg1[%get3A_4, %get3A_5, %get3A_6] : memref<2x1024x128xf32, #tpu.memory_space<vmem>>, vector<1x1024x128xf32>
    %get3A_8 = vector.shape_cast %get3A_7 : vector<1x1024x128xf32> to vector<1024x128xf32>
    %add3A = arith.addf %get3A_3, %get3A_8 : vector<1024x128xf32>
    %get3A_9 = arith.constant 0 : index
    %get3A_10 = arith.constant 0 : index
    %get3A_11 = vector.load %arg2[%get3A_9, %get3A_10] : memref<2x1024xf32, #tpu.memory_space<vmem>>, vector<1x1024xf32>
    %get3A_12 = vector.shape_cast %get3A_11 : vector<1x1024xf32> to vector<1024xf32>
    %get3A_13 = arith.constant 1 : index
    %get3A_14 = arith.constant 0 : index
    %get3A_15 = vector.load %arg2[%get3A_13, %get3A_14] : memref<2x1024xf32, #tpu.memory_space<vmem>>, vector<1x1024xf32>
    %get3A_16 = vector.shape_cast %get3A_15 : vector<1x1024xf32> to vector<1024xf32>
    %add3A_17 = arith.addf %get3A_12, %get3A_16 : vector<1024xf32>
    %max3A = arith.constant 1.000000e+00 : f32
    %max3A_18 = vector.broadcast %max3A : f32 to vector<1024xf32>
    %max3A_19 = arith.maximumf %add3A_17, %max3A_18 : vector<1024xf32>
    %broadcast_in_dim3A = vector.shape_cast %max3A_19 : vector<1024xf32> to vector<1024x1xf32>
    %div3A = vector.broadcast %broadcast_in_dim3A : vector<1024x1xf32> to vector<1024x128xf32>
    %div3A_20 = arith.divf %add3A, %div3A : vector<1024x128xf32>
    %get3A_21 = arith.constant 0 : index
    %get3A_22 = arith.constant 0 : index
    %get3A_23 = vector.load %arg3[%get3A_21, %get3A_22] : memref<128x128xf32, #tpu.memory_space<vmem>>, vector<128x128xf32>
    %transpose3A = tpu.transpose %get3A_23, [1, 0] : vector<128x128xf32> -> vector<128x128xf32>
    %dot_general3A = arith.constant dense<0.000000e+00> : vector<1024x128xf32>
    %dot_general3A_24 = tpu.matmul %div3A_20, %transpose3A, %dot_general3A {dimension_numbers = #tpu.dot_dimension_numbers<[1], [0], [0], [1], [0, 0, 1, 1], [], []>, transpose_lhs_hint = false} : vector<1024x128xf32>, vector<128x128xf32>, vector<1024x128xf32> -> vector<1024x128xf32>
    %get3A_25 = arith.constant 0 : index
    %get3A_26 = arith.constant 0 : index
    %get3A_27 = vector.load %arg4[%get3A_25, %get3A_26] : memref<1x128xf32, #tpu.memory_space<vmem>>, vector<1x128xf32>
    %add3A_28 = vector.broadcast %get3A_27 : vector<1x128xf32> to vector<1024x128xf32>
    %add3A_29 = arith.addf %dot_general3A_24, %add3A_28 : vector<1024x128xf32>
    %swap3A = arith.constant 0 : index
    %swap3A_30 = arith.constant 0 : index
    %swap3A_31 = vector.load %arg5[%swap3A, %swap3A_30] : memref<1024x128xf32, #tpu.memory_space<vmem>>, vector<1024x128xf32>
    tpu.vector_store %arg5[%swap3A, %swap3A_30], %add3A_29 {strides = array<i32>} : memref<1024x128xf32, #tpu.memory_space<vmem>>, vector<1024x128xf32>,
    return
  }
  func.func @transform_0(%arg0: i32) -> (i32, i32, i32) {
    %c0_i32 = arith.constant 0 : i32
    %c0_i32_0 = arith.constant 0 : i32
    %c0_i32_1 = arith.constant 0 : i32
    return %c0_i32, %arg0, %c0_i32_0 : i32, i32, i32
  }
  func.func @transform_1(%arg0: i32) -> (i32, i32) {
    %c0_i32 = arith.constant 0 : i32
    %c0_i32_0 = arith.constant 0 : i32
    return %c0_i32, %arg0 : i32, i32
  }
  func.func @transform_2(%arg0: i32) -> (i32, i32) {
    %c0_i32 = arith.constant 0 : i32
    %c0_i32_0 = arith.constant 0 : i32
    %c0_i32_1 = arith.constant 0 : i32
    return %c0_i32, %c0_i32_0 : i32, i32
  }
  func.func @transform_3(%arg0: i32) -> (i32, i32) {
    %c0_i32 = arith.constant 0 : i32
    %c0_i32_0 = arith.constant 0 : i32
    %c0_i32_1 = arith.constant 0 : i32
    return %c0_i32, %c0_i32_0 : i32, i32
  }
  func.func @transform_4(%arg0: i32) -> (i32, i32) {
    %c0_i32 = arith.constant 0 : i32
    %c0_i32_0 = arith.constant 0 : i32
    return %arg0, %c0_i32 : i32, i32
  }
}

</mosaic_0001>

<sc_bundles>
// kernel: gcn_segment_mean_sc.3.cloned.1.call-start
scs
__scs_entry_jumppad:
0x0: {  	(pc) =	sbr.rel $0x88, $3  }
0x1: {  	(tag) =	ssettag $0x0;
	lr =	simm.s32 $0x1  }
0x2: {  	[smem:$0x3F9D] =	sst lr;
	_ =	strace $0xD0000000  }
0x3: {  	_ = 	snop  }
0x4: {  	_ = 	snop  }
0x5: {  	_ = 	snop  }
0x6: {  	_ = 	snop  }
0x7: {  	_ = 	snop  }
__scs_overlays_trampoline_lowered:
0x8: {  	[smem:$0x3FAC] =	sst s0  }
0x9: {  	[smem:$0x3FAD] =	sst s1  }
0xa: {  	[smem:$0x3FAE] =	sst s2  }
0xb: {  	[smem:$0x3FAF] =	sst s3  }
0xc: {  	[smem:$0x3FB0] =	sst s4  }
0xd: {  	[smem:$0x3FB1] =	sst s5  }
0xe: {  	[smem:$0x3FB2] =	sst s6  }
0xf: {  	[smem:$0x3FB3] =	sst s7  }
0x10: {  	[smem:$0x3FB4] =	sst s8  }
0x11: {  	[smem:$0x3FB5] =	sst s9;
	s0 =	simm.s32 @!p0 $0x0  }
0x12: {  	s1 =	sld [smem:$0x3F9B];
	s0 =	simm.s32 @p0 $0x1  }
0x13: {  	[smem:$0x3FB6] =	sst s0;
	s0 =	simm.s32 @!p1 $0x0  }
0x14: {  	s2 =	sld [smem:$0x3F9A];
	s0 =	simm.s32 @p1 $0x1  }
0x15: {  	[smem:$0x3FB7] =	sst s0;
	s0 =	simm.s32 @!p2 $0x0  }
0x16: {  	s3 =	sld [smem:$0x3FDB];
	s0 =	simm.s32 @p2 $0x1  }
0x17: {  	s4 =	simm.s32 $0x1BF5;
	[smem:$0x3FB9] =	sst s0  }
0x18: {  	s0 =	sld [smem:$0x3F9C];
	_ =	swait.ge [sflag:s4], $0x0  }
0x19: {  	s7 =	sld [smem:$0x3F9D]  }
0x1a: {  	s8 =	sadd.s32 $0xFFFFE003, lr  }
0x1b: {  	s9 =	sadd.s32 $0xFFFFFEF7, lr;
	s5 =	simm.s32 $0xFFFFFFFF;
	p2 =	slt.u32 s8, $0xFFFFF086  }
0x1c: {  	p1 =	slt.u32 s9, $0xF7A;
	s5 =	simm.s32 @!p2 $0x0  }
0x1d: {  	s5 =	simm.s32 @p1 $0x1;
	p0 =	seq.s32 s7, s2  }
0x1e: {  	s7 =	smul.u32 @!p0 $0xF7A, s2;
	p2 =	seq.s32 @!p0 s5, $0x0  }
0x1f: {  	s9 =	smul.u32 $0xF7A, s1;
	s8 =	simm.s32 @!p0 $0x1BF5;
	p2 =	por !p2, p0  }
0x20: {  	[sflag:s8] =	ssyncset.s32 @!p0 $0xFFFFF086;
	s6 =	sadd.s32 @!p0 s3, s7;
	s7 =	simm.s32 @!p0 $0x108  }
0x21: {  	s3 =	sadd.s32 s3, s9;
	s6 =	sadd.s32 @!p0 $0x88, s6;
	s7 =	simm.s32 @p2 $0x1082  }
0x22: {  	[simem:s7], [sflag:s8] =	dma.local @!p0 [hbm:s6], $0xF7A  }
0x23: {  	s9 =	sor.u32 $0xD0000000, s2;
	s6 =	simm.s32 $0x108;
	_ =	swait.ge @!p0 [sflag:s8], $0x0  }
0x24: {  	s3 =	sadd.s32 $0x88, s3;
	s6 =	simm.s32 @!p1 $0x1082;
	[sflag:s4] =	ssyncset.s32 $0xFFFFF086  }
0x25: {  	[simem:s6], [sflag:s4] =	dma.local [hbm:s3], $0xF7A  }
0x26: {  	[smem:$0x3F9D] =	sst s1;
	(tag) =	ssettag s2;
	_ =	strace s9  }
0x27: {  	s1 =	sld [smem:$0x3FAD]  }
0x28: {  	s2 =	sld [smem:$0x3FAE]  }
0x29: {  	s4 =	sld [smem:$0x3FB0]  }
0x2a: {  	p0 =	seq.s32 s5, $0x0;
	s5 =	sld [smem:$0x3FB1]  }
0x2b: {  	s6 =	sld [smem:$0x3FB2]  }
0x2c: {  	s7 =	sld [smem:$0x3FB3]  }
0x2d: {  	s3 =	simm.s32 $0x108;
	s8 =	sld [smem:$0x3FB4]  }
0x2e: {  	s3 =	simm.s32 @!p0 $0x1082;
	s9 =	sld [smem:$0x3FB5]  }
0x2f: {  	lr =	sadd.s32 s0, s3;
	s0 =	sld [smem:$0x3FAC]  }
0x30: {  	s3 =	sld [smem:$0x3FAF]  }
0x31: {  	[smem:$0x3FB8] =	sst s10  }
0x32: {  	s10 =	sld [smem:$0x3FB6];
	_ =	sdelay $0x3  }
0x33: {  	p0 =	seq.s32 s10, $0x1;
	s10 =	sld [smem:$0x3FB8];
	_ =	sdelay $0x3  }
0x34: {  	[smem:$0x3FB8] =	sst s10  }
0x35: {  	s10 =	sld [smem:$0x3FB7];
	_ =	sdelay $0x3  }
0x36: {  	p1 =	seq.s32 s10, $0x1;
	s10 =	sld [smem:$0x3FB8];
	_ =	sdelay $0x3  }
0x37: {  	[smem:$0x3FB8] =	sst s10  }
0x38: {  	s10 =	sld [smem:$0x3FB9]  }
0x39: {  	_ = 	snop;
	(pc) =	sbr.ind lr, $3  }
0x3a: {  	_ = 	snop  }
0x3b: {  	_ = 	snop  }
0x3c: {  	p2 =	seq.s32 s10, $0x1;
	s10 =	sld [smem:$0x3FB8]  }
0x3d: {  	_ =	shalt  }
0x3e: {  	_ =	shalt  }
0x3f: {  	_ =	shalt  }
0x40: {  	_ =	shalt  }
0x41: {  	_ =	shalt  }
0x42: {  	_ =	shalt  }
0x43: {  	_ =	shalt  }
0x44: {  	_ =	shalt  }
0x45: {  	_ =	shalt  }
0x46: {  	_ =	shalt  }
0x47: {  	_ =	shalt  }
0x48: {  	_ =	shalt  }
0x49: {  	_ =	shalt  }
0x4a: {  	_ =	shalt  }
0x4b: {  	_ =	shalt  }
0x4c: {  	_ =	shalt  }
0x4d: {  	_ =	shalt  }
0x4e: {  	_ =	shalt  }
0x4f: {  	_ =	shalt  }
0x50: {  	_ =	shalt  }
0x51: {  	_ =	shalt  }
0x52: {  	_ =	shalt  }
0x53: {  	_ =	shalt  }
0x54: {  	_ =	shalt  }
0x55: {  	_ =	shalt  }
0x56: {  	_ =	shalt  }
0x57: {  	_ =	shalt  }
0x58: {  	_ =	shalt  }
0x59: {  	_ =	shalt  }
0x5a: {  	_ =	shalt  }
0x5b: {  	_ =	shalt  }
0x5c: {  	_ =	shalt  }
0x5d: {  	_ =	shalt  }
0x5e: {  	_ =	shalt  }
0x5f: {  	_ =	shalt  }
0x60: {  	_ =	shalt  }
0x61: {  	_ =	shalt  }
0x62: {  	_ =	shalt  }
0x63: {  	_ =	shalt  }
0x64: {  	_ =	shalt  }
0x65: {  	_ =	shalt  }
0x66: {  	_ =	shalt  }
0x67: {  	_ =	shalt  }
0x68: {  	_ =	shalt  }
0x69: {  	_ =	shalt  }
0x6a: {  	_ =	shalt  }
0x6b: {  	_ =	shalt  }
0x6c: {  	_ =	shalt  }
0x6d: {  	_ =	shalt  }
0x6e: {  	_ =	shalt  }
0x6f: {  	_ =	shalt  }
0x70: {  	_ =	shalt  }
0x71: {  	_ =	shalt  }
0x72: {  	_ =	shalt  }
0x73: {  	_ =	shalt  }
0x74: {  	_ =	shalt  }
0x75: {  	_ =	shalt  }
0x76: {  	_ =	shalt  }
0x77: {  	_ =	shalt  }
0x78: {  	_ =	shalt  }
0x79: {  	_ =	shalt  }
0x7a: {  	_ =	shalt  }
0x7b: {  	_ =	shalt  }
0x7c: {  	_ =	shalt  }
0x7d: {  	_ =	shalt  }
0x7e: {  	_ =	shalt  }
0x7f: {  	_ =	shalt  }
0x80: {  	_ =	shalt  }
0x81: {  	_ =	shalt  }
0x82: {  	_ =	shalt  }
0x83: {  	_ =	shalt  }
0x84: {  	_ =	shalt  }
0x85: {  	_ =	shalt  }
0x86: {  	_ =	shalt  }
0x87: {  	_ =	shalt  }
.Lfunc_end0:
.L_simem_size_0:
called_computation_lowered:
.L_overlay_start_0:
0x88: {  	s2 =	sld [smem:$0x3FD9]  }
0x89: {  	s3 =	sld [smem:$0x3FFE];
	_ =	sdelay $0x1  }
0x8a: {  	s1 =	srdreg.scid  }
0x8b: {  	s0 =	sand.u32 $0x1, s1  }
0x8c: {  	s17 =	sshll.u32 s0, $0xA;
	s2 =	sadd.s32 s3, s2  }
0x8d: {  	s2 =	sadd.s32 s2, s17  }
0x8e: {  	[smem:$0x3FC4] =	sst s2  }
0x8f: {  	_ = 	snop  }
0x90: {  	s2 =	sld [smem:$0x3FC9]  }
0x91: {  	s18 =	sld [smem:$0x3FD0];
	(tm) =	ssettm $0x1  }
0x92: {  	s4 =	sld [smem:$0x3FFB];
	_ =	sdelay $0x3  }
0x93: {  	_ =	strace s4  }
0x94: {  	s4 =	sld [smem:$0x3FFC];
	_ =	sdelay $0x3  }
0x95: {  	_ =	strace s4  }
0x96: {  	s4 =	sld [smem:$0x3FFD];
	_ =	sdelay $0x3  }
0x97: {  	_ =	strace s4  }
0x98: {  	_ =	strace $0x8FFFFFFF  }
0x99: {  	s19 =	sld [smem:$0x3FDB];
	_ =	sdelay $0x1  }
0x9a: {  	s5 =	simm.s32 $_scs_section_size  }
0x9b: {  	s6 =	simm.s32 $_size__tile_overlayer_lowered;
	s7 =	simm.s32 $_tile_overlayer_lowered  }
0x9c: {  	s22 =	simm.s32 $0x1BFF;
	s21 =	sshll.u32 s7, $0x1;
	s4 =	sadd.s32 s5, s19  }
0x9d: {  	s8 =	simm.s32 $0x0;
	s20 =	sshll.u32 s6, $0x1;
	s6 =	sadd.s32 s21, s4  }
0x9e: {  	[timem:s8], [sflag:s22] =	dma.local [hbm:s6], s20  }
0x9f: {  	_ =	swait.ge [sflag:s22], s20  }
0xa0: {  	s5 =	ssub.s32 $0x0, s20;
	[sflag:s22] =	ssyncset.done $0x0  }
0xa1: {  	[sflag:s22] =	ssyncadd.s32 s5;
	_ =	sdelay $0x1  }
0xa2: {  	s23 =	simm.s32 $0x1B8B  }
0xa3: {  	_ =	swait.ge [sflag:s23], $0x1  }
0xa4: {  	[sflag:s23] =	ssyncset.done $0x0  }
0xa5: {  	s25 =	simm.s32 $0x1B8E;
	s24 =	sld [smem:$0x3FFE];
	[sflag:s23] =	ssyncadd.s32 $0xFFFFFFFF  }
0xa6: {  	s26 =	simm.s32 $execute0_lowered;
	[smem:$0x3FD2] =	sst s25  }
0xa7: {  	s6 =	sshll.u32 s26, $0x1;
	_ =	strace $0x80000046;
	[dreg:$0x1] =	wrdreg $0xFFFFFFFF  }
0xa8: {  	s28 =	simm.s32 $_size_execute0_lowered;
	s4 =	sadd.s32 s4, s6;
	[dreg:$0x0] =	wrdreg $0x0  }
0xa9: {  	s6 =	sshll.u32 s28, $0x1;
	[dreg:$0x2] =	wrdreg s4  }
0xaa: {  	[dreg:$0x3] =	wrdreg s6  }
0xab: {  	[dreg:$0x4] =	wrdreg $0xC0  }
0xac: {  	_ =	task [dreg:s8], $0x5FFFF  }
0xad: {  	[dreg:$0x1] =	wrdreg $0xFFFFFFFF  }
0xae: {  	[dreg:$0x0] =	wrdreg $0x60  }
0xaf: {  	[dreg:$0x2] =	wrdreg s2  }
0xb0: {  	[dreg:$0x3] =	wrdreg s18  }
0xb1: {  	[dreg:$0x4] =	wrdreg s24  }
0xb2: {  	[dreg:$0x5] =	wrdreg $0xB2000  }
0xb3: {  	[dreg:$0x6] =	wrdreg $0x1F2000  }
0xb4: {  	[dreg:$0x7] =	wrdreg $0x9  }
0xb5: {  	_ =	task.clear_ibuf [dreg:s8], $0x8FFFF;
	_ =	strace $0x90000046  }
0xb6: {  	s29 =	simm.s32 $0x9;
	_ =	strace $0x80000048  }
0xb7: {  	_ =	swait.ge [sflag:s29], $0x1  }
0xb8: {  	[sflag:s29] =	ssyncadd.s32 $0xFFFFFFFF  }
0xb9: {  	_ =	strace $0x90000048  }
0xba: {  	_ =	sfence  }
0xbb: {  	s30 =	sld [smem:$0x0];
	_ =	sdelay $0x2  }
0xbc: {  	s31 =	sshll.u32 s1, $0xD;
	s1 =	sshrl.u32 s1, $0x2  }
0xbd: {  	s3 =	sand.u32 $0x4000, s31;
	s1 =	sadd.s32 s1, s30  }
0xbe: {  	s0 =	sor.u32 s3, s0;
	s1 =	sshll.u32 s1, $0x11  }
0xbf: {  	s0 =	sor.u32 s1, s0  }
0xc0: {  	s0 =	sadd.s32 $0x8F2B, s0  }
0xc1: {  	[sflag:s0] =	ssyncadd.remote.s32 $0x1  }
0xc2: {  	_ =	sfence.sel $0xFFFF  }
0xc3: {  	[dreg:$0x0] =	wrdreg $0xFFFFFFFF;
	(pc) =	sbr.abs _section_cstart, $3  }
0xc4: {  	[dreg:$0x1] =	wrdreg $0xFFFFFFFF  }
0xc5: {  	_ =	task.clear_ibuf [dreg:s8], $0x2FFFF;
	_ =	strace $0x9FFFFFFF  }
0xc6: {  	(tm) =	ssettm $0x7FFFFFFF  }
0xc7: {  	_ =	shalt  }
tec
execute0_lowered:
.L_overlay_start_1:
0x0: {  	(tag) =	ssettag $0x1  }
0x1: {  	s0 =	rddreg [dreg:$0x0]  }
0x2: {  	s1 =	rddreg [dreg:$0x1]  }
0x3: {  	s2 =	rddreg [dreg:$0x2]  }
0x4: {  	s3 =	rddreg [dreg:$0x3]  }
0x5: {  	s5 =	srdreg.scid;
	s11 =	stileid.u32  }
0x6: {  	s4 =	rddreg [dreg:$0x4];
	s8 =	simm.s32 $0x0;
	s7 =	smul.u32 $0x14000, s11  }
0x7: {  	s28 =	simm.s32 $0x6F00;
	s30 =	simm.s32 $0x8F00;
	s26 =	smul.u32 $0x500, s11  }
0x8: {  	s31 =	simm.s32 $0x1;
	s5 =	sand.u32 $0x1, s5;
	s12 =	smul.u32 $0x50000, s11  }
0x9: {  	s29 =	simm.s32 $0x4DC0;
	[smem:$0x7FF] =	sst s8;
	s6 =	smul.u32 $0x140000, s5  }
0xa: {  	s9 =	sshll.u32 s5, $0x4;
	_ =	strace $0x80000047;
	s10 =	sshll.u32 s5, $0x7  }
0xb: {  	s5 =	ssub.s32 $0x2, s5;
	s9 =	sor.u32 s11, s9;
	s8 =	sor.u32 s10, s26  }
0xc: {  	s19 =	sshrl.u32 s5, $0x1;
	s21 =	sshrl.u32 s12, $0x2;
	s26 =	smul.u32 $0xA00, s11  }
0xd: {  	s6 =	sadd.s32 s7, s6;
	s10 =	smul.u32 $0x2710, s9;
	s7 =	sshrl.u32 s8, $0x3  }
0xe: {  	s5 =	ssub.s32 s5, s19;
	s9 =	simm.s32 $0x4E80;
	s6 =	sshrl.u32 s6, $0x3  }
0xf: {  	s13 =	sadd.s32 s6, s2;
	s2 =	sadd.s32 s7, s2;
	s20 =	sshrl.u32 s10, $0x3  }
0x10: {  	s7 =	sadd.s32 s21, s3;
	s21 =	smax.u32 s5, $0x1;
	s5 =	simm.s32 $0x4E40  }
0x11: {  	s10 =	simm.s32 $0x0;
	s6 =	sadd.s32 s1, s20;
	s22 =	sadd.s32 $0x2000, s7  }
0x12: {  	s23 =	sadd.s32 $0x4000, s7;
	s24 =	sadd.s32 $0x6000, s7;
	s25 =	sadd.s32 $0x8000, s7  }
0x13: {  	s8 =	sadd.s32 $0xA000, s7;
	s14 =	sadd.s32 $0xC000, s7;
	[dreg:$0x7] =	wrdreg s22  }
0x14: {  	s15 =	sadd.s32 $0xE000, s7;
	s16 =	sadd.s32 $0x10000, s7;
	[dreg:$0x8] =	wrdreg s23  }
0x15: {  	s17 =	sadd.s32 $0x12000, s7;
	s19 =	sadd.s32 $0x1000, s13;
	[dreg:$0x9] =	wrdreg s24  }
0x16: {  	s20 =	sadd.s32 $0x51000, s2;
	s2 =	simm.s32 $0x4E00;
	[dreg:$0xa] =	wrdreg s25  }
0x17: {  	s1 =	sadd.s32 $0x9C40, s6;
	[dreg:$0xb] =	wrdreg s8;
	s22 =	simm.s32 $0x4  }
0x18: {  	s24 =	simm.s32 $0x4F00;
	s23 =	simm.s32 $0x2;
	s25 =	simm.s32 $0x3  }
0x19: {  	s8 =	simm.s32 $0x10;
	[dreg:$0x6] =	wrdreg s1;
	s1 =	sshrl.u32 s26, $0x2  }
0x1a: {  	v0 =	vimm.f32 $0.0e+00;
	v1 =	vimm.f32 $1.000000000e+00;
	s26 =	simm.s32 $0x40;
	s18 =	sadd.s32 s1, s4;
	s1 =	simm.s32 $0xAF00  }
.LBB2_1:
0x1b: {  	s11 =	simm.s32 $0x0  }
0x1c: {  	[tilespmem:s11], [sflag:$0x4] =	stream.linear.gather [hbm4b:s6+s11], $0x2710, $0x38;
	[tilespmem:$0x1F480] =	vst v63  }
0x1d: {  	_ =	swait.ge [sflag:s22], $0x2710  }
0x1e: {  	[sflag:s22] =	ssyncset.done $0x0  }
0x1f: {  	s13 =	simm.s32 $0x2780;
	s12 =	rddreg [dreg:$0x6];
	[sflag:s22] =	ssyncadd.s32 $0xFFFFD8F0  }
0x20: {  	[tilespmem:s13], [sflag:$0x4] =	stream.linear.gather [hbm4b:s12+s11], $0x2710, $0x38;
	[tilespmem:$0x1F480] =	vst v63  }
0x21: {  	_ =	swait.ge [sflag:s22], $0x2710  }
0x22: {  	[sflag:s22] =	ssyncset.done $0x0  }
0x23: {  	s11 =	simm.s32 $0x0;
	s12 =	simm.s32 $0x200;
	[sflag:s22] =	ssyncadd.s32 $0xFFFFD8F0  }
.LBB2_2:
0x24: {  	p0 =	sne.s32 s12, $0x7E00;
	[tilespmem:s11+$0x4F70] =	vst v0  }
0x25: {  	[tilespmem:s11+$0x4F00] =	vst v0  }
0x26: {  	[tilespmem:s11+$0x4F10] =	vst v0  }
.Ltmp0:
0x27: {  	[tilespmem:s11+$0x4F20] =	vst v0;
	(pc) =	sbr.rel @p0 .LBB2_2-.Ltmp0, $4  }
0x28: {  	[tilespmem:s11+$0x4F30] =	vst v0  }
0x29: {  	[tilespmem:s11+$0x4F40] =	vst v0  }
0x2a: {  	[tilespmem:s11+$0x4F50] =	vst v0  }
0x2b: {  	[tilespmem:s11+$0x4F60] =	vst v0;
	s11 =	sshra.s32 s12, $0x2;
	s12 =	sadd.s32 $0x200, s12  }
0x2c: {  	[tilespmem:s11+$0x4F70] =	vst v0  }
0x2d: {  	[tilespmem:s11+$0x4F00] =	vst v0  }
0x2e: {  	[tilespmem:s11+$0x4F10] =	vst v0  }
0x2f: {  	[tilespmem:s11+$0x4F20] =	vst v0  }
0x30: {  	[tilespmem:s11+$0x4F30] =	vst v0  }
0x31: {  	[tilespmem:s11+$0x4F40] =	vst v0  }
0x32: {  	[tilespmem:s11+$0x4F50] =	vst v0  }
0x33: {  	[tilespmem:s11+$0x4F60] =	vst v0  }
0x34: {  	[tilespmem:$0xAF00] =	vst v1  }
0x35: {  	[tilespmem:$0xAF10] =	vst v1  }
0x36: {  	[tilespmem:$0xAF20] =	vst v1  }
0x37: {  	[tilespmem:$0xAF30] =	vst v1  }
0x38: {  	[tilespmem:$0xAF80] =	vst v0  }
0x39: {  	[tilespmem:$0xAF90] =	vst v0  }
0x3a: {  	[tilespmem:$0xAFA0] =	vst v0  }
0x3b: {  	[tilespmem:$0xAFB0] =	vst v0  }
0x3c: {  	[tilespmem:$0xAFC0] =	vst v0  }
0x3d: {  	[tilespmem:$0xAFD0] =	vst v0  }
0x3e: {  	[tilespmem:$0xAFE0] =	vst v0  }
0x3f: {  	[tilespmem:$0xAFF0] =	vst v0  }
0x40: {  	[tilespmem:$0xB000] =	vst v0  }
0x41: {  	[tilespmem:$0xB010] =	vst v0  }
0x42: {  	[tilespmem:$0xB020] =	vst v0  }
0x43: {  	[tilespmem:$0xB030] =	vst v0  }
0x44: {  	[tilespmem:$0xB040] =	vst v0  }
0x45: {  	[tilespmem:$0xB050] =	vst v0  }
0x46: {  	[tilespmem:$0xB060] =	vst v0  }
0x47: {  	[tilespmem:$0xB070] =	vst v0  }
0x48: {  	[tilespmem:$0xB080] =	vst v0  }
0x49: {  	[tilespmem:$0xB090] =	vst v0  }
0x4a: {  	[tilespmem:$0xB0A0] =	vst v0  }
0x4b: {  	[tilespmem:$0xB0B0] =	vst v0  }
0x4c: {  	[tilespmem:$0xB0C0] =	vst v0  }
0x4d: {  	[tilespmem:$0xB0D0] =	vst v0  }
0x4e: {  	[tilespmem:$0xB0E0] =	vst v0  }
0x4f: {  	[tilespmem:$0xB0F0] =	vst v0  }
0x50: {  	[tilespmem:$0xB100] =	vst v0  }
0x51: {  	[tilespmem:$0xB110] =	vst v0  }
0x52: {  	[tilespmem:$0xB120] =	vst v0  }
0x53: {  	[tilespmem:$0xB130] =	vst v0  }
0x54: {  	[tilespmem:$0xB140] =	vst v0  }
0x55: {  	[tilespmem:$0xB150] =	vst v0  }
0x56: {  	[tilespmem:$0xB160] =	vst v0  }
0x57: {  	[tilespmem:$0xB170] =	vst v0  }
0x58: {  	[tilespmem:$0xB180] =	vst v0  }
0x59: {  	[tilespmem:$0xB190] =	vst v0  }
0x5a: {  	[tilespmem:$0xB1A0] =	vst v0  }
0x5b: {  	[tilespmem:$0xB1B0] =	vst v0  }
0x5c: {  	[tilespmem:$0xB1C0] =	vst v0  }
0x5d: {  	[tilespmem:$0xB1D0] =	vst v0  }
0x5e: {  	[tilespmem:$0xB1E0] =	vst v0  }
0x5f: {  	[tilespmem:$0xB1F0] =	vst v0  }
0x60: {  	[spmem:s7] =	stream.linear.scatter [tilespmem:s24], [sflag:$0x4], $0x2000, $0x38;
	[tilespmem:$0x1F480] =	vst v63  }
0x61: {  	_ =	swait.ge [sflag:s22], $0x2000  }
0x62: {  	[sflag:s22] =	ssyncset.done $0x0  }
0x63: {  	s13 =	rddreg [dreg:$0x7];
	[sflag:s22] =	ssyncadd.s32 $0xFFFFE000  }
0x64: {  	[spmem:s13] =	stream.linear.scatter [tilespmem:s24], [sflag:$0x4], $0x2000, $0x38;
	[tilespmem:$0x1F480] =	vst v63  }
0x65: {  	_ =	swait.ge [sflag:s22], $0x2000  }
0x66: {  	[sflag:s22] =	ssyncset.done $0x0  }
0x67: {  	s12 =	rddreg [dreg:$0x8];
	[sflag:s22] =	ssyncadd.s32 $0xFFFFE000  }
0x68: {  	[spmem:s12] =	stream.linear.scatter [tilespmem:s24], [sflag:$0x4], $0x2000, $0x38;
	[tilespmem:$0x1F480] =	vst v63  }
0x69: {  	_ =	swait.ge [sflag:s22], $0x2000  }
0x6a: {  	[sflag:s22] =	ssyncset.done $0x0  }
0x6b: {  	s13 =	rddreg [dreg:$0x9];
	[sflag:s22] =	ssyncadd.s32 $0xFFFFE000  }
0x6c: {  	[spmem:s13] =	stream.linear.scatter [tilespmem:s24], [sflag:$0x4], $0x2000, $0x38;
	[tilespmem:$0x1F480] =	vst v63  }
0x6d: {  	_ =	swait.ge [sflag:s22], $0x2000  }
0x6e: {  	[sflag:s22] =	ssyncset.done $0x0  }
0x6f: {  	s12 =	rddreg [dreg:$0xa];
	[sflag:s22] =	ssyncadd.s32 $0xFFFFE000  }
0x70: {  	[spmem:s12] =	stream.linear.scatter [tilespmem:s24], [sflag:$0x4], $0x2000, $0x38;
	[tilespmem:$0x1F480] =	vst v63  }
0x71: {  	_ =	swait.ge [sflag:s22], $0x2000  }
0x72: {  	[sflag:s22] =	ssyncset.done $0x0  }
0x73: {  	s13 =	rddreg [dreg:$0xb];
	[sflag:s22] =	ssyncadd.s32 $0xFFFFE000  }
0x74: {  	[spmem:s13] =	stream.linear.scatter [tilespmem:s24], [sflag:$0x4], $0x2000, $0x38;
	[tilespmem:$0x1F480] =	vst v63  }
0x75: {  	_ =	swait.ge [sflag:s22], $0x2000  }
0x76: {  	[sflag:s22] =	ssyncset.done $0x0  }
0x77: {  	[sflag:s22] =	ssyncadd.s32 $0xFFFFE000  }
0x78: {  	[spmem:s14] =	stream.linear.scatter [tilespmem:s24], [sflag:$0x4], $0x2000, $0x38;
	[tilespmem:$0x1F480] =	vst v63  }
0x79: {  	_ =	swait.ge [sflag:s22], $0x2000  }
0x7a: {  	[sflag:s22] =	ssyncset.done $0x0  }
0x7b: {  	[sflag:s22] =	ssyncadd.s32 $0xFFFFE000  }
0x7c: {  	[spmem:s15] =	stream.linear.scatter [tilespmem:s24], [sflag:$0x4], $0x2000, $0x38;
	[tilespmem:$0x1F480] =	vst v63  }
0x7d: {  	_ =	swait.ge [sflag:s22], $0x2000  }
0x7e: {  	[sflag:s22] =	ssyncset.done $0x0  }
0x7f: {  	[sflag:s22] =	ssyncadd.s32 $0xFFFFE000  }
0x80: {  	[spmem:s16] =	stream.linear.scatter [tilespmem:s24], [sflag:$0x4], $0x2000, $0x38;
	[tilespmem:$0x1F480] =	vst v63  }
0x81: {  	_ =	swait.ge [sflag:s22], $0x2000  }
0x82: {  	[sflag:s22] =	ssyncset.done $0x0  }
0x83: {  	[sflag:s22] =	ssyncadd.s32 $0xFFFFE000  }
0x84: {  	[spmem:s17] =	stream.linear.scatter [tilespmem:s24], [sflag:$0x4], $0x2000, $0x38;
	[tilespmem:$0x1F480] =	vst v63  }
0x85: {  	_ =	swait.ge [sflag:s22], $0x2000  }
0x86: {  	[sflag:s22] =	ssyncset.done $0x0  }
0x87: {  	s12 =	simm.s32 $0xAF80;
	[sflag:s22] =	ssyncadd.s32 $0xFFFFE000  }
0x88: {  	[spmem:s18] =	stream.linear.scatter [tilespmem:s12], [sflag:$0x4], $0x280, $0x38;
	[tilespmem:$0x1F480] =	vst v63  }
0x89: {  	_ =	swait.ge [sflag:s22], $0x280  }
0x8a: {  	[sflag:s22] =	ssyncset.done $0x0  }
0x8b: {  	[sflag:s22] =	ssyncadd.s32 $0xFFFFFD80  }
0x8c: {  	s13 =	simm.s32 $0x0;
	[bflag:$0x0] =	sbarrier.arrive $0xFFFF  }
0x8d: {  	[tilespmem:s24], [sflag:$0x1] =	stream.indirect.gather [hbm4b:s0+s26], $0x80, s13, s26, $0xb8;
	[tilespmem:$0x1F480] =	vst v63  }
0x8e: {  	_ = 	snop  }
0x8f: {  	[tilespmem:s28], [sflag:$0x2] =	stream.indirect.gather [hbm4b:s0+s26], $0x80, s26, s26, $0xb8;
	[tilespmem:$0x1F480] =	vst v63  }
0x90: {  	s12 =	simm.s32 $0x80  }
0x91: {  	[tilespmem:s30], [sflag:$0x3] =	stream.indirect.gather [hbm4b:s0+s26], $0x80, s12, s26, $0xb8;
	[tilespmem:$0x1F480] =	vst v63  }
0x92: {  	_ =	swait.ge [sflag:s31], $0x2000  }
0x93: {  	[sflag:s31] =	ssyncset.done $0x0  }
0x94: {  	s13 =	simm.s32 $0x2780;
	[sflag:s31] =	ssyncadd.s32 $0xFFFFE000  }
0x95: {  	[spmem:s3] =	stream.indirect.scatter.add.f32 [tilespmem:s24], [sflag:$0x4], $0x80, s13, s26, $0xb8;
	[tilespmem:$0x1F480] =	vst v63  }
0x96: {  	_ =	swait.ge [sflag:s22], $0x2000  }
0x97: {  	[sflag:s22] =	ssyncset.done $0x0  }
0x98: {  	[sflag:s22] =	ssyncadd.s32 $0xFFFFE000  }
0x99: {  	[spmem:s4] =	stream.indirect.scatter.add.f32 [tilespmem:s1], [sflag:$0x4], $0x1, s13, s26, $0xb8;
	[tilespmem:$0x1F480] =	vst v63  }
0x9a: {  	_ =	swait.ge [sflag:s22], $0x40  }
0x9b: {  	[sflag:s22] =	ssyncset.done $0x0  }
0x9c: {  	s12 =	simm.s32 $0xC0;
	[sflag:s22] =	ssyncadd.s32 $0xFFFFFFC0  }
0x9d: {  	[tilespmem:s24], [sflag:$0x1] =	stream.indirect.gather [hbm4b:s0+s26], $0x80, s12, s26, $0xb8;
	[tilespmem:$0x1F480] =	vst v63  }
0x9e: {  	_ =	swait.ge [sflag:s23], $0x2000  }
0x9f: {  	[sflag:s23] =	ssyncset.done $0x0  }
0xa0: {  	s13 =	simm.s32 $0x27C0;
	[sflag:s23] =	ssyncadd.s32 $0xFFFFE000  }
0xa1: {  	[spmem:s3] =	stream.indirect.scatter.add.f32 [tilespmem:s28], [sflag:$0x4], $0x80, s13, s26, $0xb8;
	[tilespmem:$0x1F480] =	vst v63  }
0xa2: {  	_ =	swait.ge [sflag:s22], $0x2000  }
0xa3: {  	[sflag:s22] =	ssyncset.done $0x0  }
0xa4: {  	[sflag:s22] =	ssyncadd.s32 $0xFFFFE000  }
0xa5: {  	[spmem:s4] =	stream.indirect.scatter.add.f32 [tilespmem:s1], [sflag:$0x4], $0x1, s13, s26, $0xb8;
	[tilespmem:$0x1F480] =	vst v63  }
0xa6: {  	_ =	swait.ge [sflag:s22], $0x40  }
0xa7: {  	[sflag:s22] =	ssyncset.done $0x0  }
0xa8: {  	s12 =	simm.s32 $0x100;
	[sflag:s22] =	ssyncadd.s32 $0xFFFFFFC0  }
0xa9: {  	[tilespmem:s28], [sflag:$0x2] =	stream.indirect.gather [hbm4b:s0+s26], $0x80, s12, s26, $0xb8;
	[tilespmem:$0x1F480] =	vst v63  }
0xaa: {  	_ =	swait.ge [sflag:s25], $0x2000  }
0xab: {  	[sflag:s25] =	ssyncset.done $0x0  }
0xac: {  	s13 =	simm.s32 $0x2800;
	[sflag:s25] =	ssyncadd.s32 $0xFFFFE000  }
0xad: {  	[spmem:s3] =	stream.indirect.scatter.add.f32 [tilespmem:s30], [sflag:$0x4], $0x80, s13, s26, $0xb8;
	[tilespmem:$0x1F480] =	vst v63  }
0xae: {  	_ =	swait.ge [sflag:s22], $0x2000  }
0xaf: {  	[sflag:s22] =	ssyncset.done $0x0  }
0xb0: {  	[sflag:s22] =	ssyncadd.s32 $0xFFFFE000  }
0xb1: {  	[spmem:s4] =	stream.indirect.scatter.add.f32 [tilespmem:s1], [sflag:$0x4], $0x1, s13, s26, $0xb8;
	[tilespmem:$0x1F480] =	vst v63  }
0xb2: {  	_ =	swait.ge [sflag:s22], $0x40  }
0xb3: {  	[sflag:s22] =	ssyncset.done $0x0  }
0xb4: {  	s11 =	simm.s32 $0x300;
	s12 =	simm.s32 $0x140;
	[sflag:s22] =	ssyncadd.s32 $0xFFFFFFC0  }
.LBB2_4:
0xb5: {  	[tilespmem:s30], [sflag:$0x3] =	stream.indirect.gather [hbm4b:s0+s26], $0x80, s12, s26, $0xb8;
	[tilespmem:$0x1F480] =	vst v63  }
0xb6: {  	s12 =	smov.u32 s11  }
0xb7: {  	p0 =	sne.s32 s11, $0x9600;
	s11 =	sadd.s32 $0x300, s11;
	_ =	swait.ge [sflag:s31], $0x2000  }
0xb8: {  	s12 =	sshra.s32 s12, $0x2;
	[sflag:s31] =	ssyncset.done $0x0  }
0xb9: {  	s13 =	sadd.s32 $0x2780, s12;
	[sflag:s31] =	ssyncadd.s32 $0xFFFFE000  }
0xba: {  	[spmem:s3] =	stream.indirect.scatter.add.f32 [tilespmem:s24], [sflag:$0x4], $0x80, s13, s26, $0xb8;
	[tilespmem:$0x1F480] =	vst v63  }
0xbb: {  	_ =	swait.ge [sflag:s22], $0x2000  }
0xbc: {  	[sflag:s22] =	ssyncset.done $0x0  }
0xbd: {  	[sflag:s22] =	ssyncadd.s32 $0xFFFFE000  }
0xbe: {  	[spmem:s4] =	stream.indirect.scatter.add.f32 [tilespmem:s1], [sflag:$0x4], $0x1, s13, s26, $0xb8;
	[tilespmem:$0x1F480] =	vst v63  }
0xbf: {  	_ =	swait.ge [sflag:s22], $0x40  }
0xc0: {  	[sflag:s22] =	ssyncset.done $0x0  }
0xc1: {  	s13 =	sadd.s32 $0xC0, s12;
	[sflag:s22] =	ssyncadd.s32 $0xFFFFFFC0  }
0xc2: {  	[tilespmem:s24], [sflag:$0x1] =	stream.indirect.gather [hbm4b:s0+s26], $0x80, s13, s26, $0xb8;
	[tilespmem:$0x1F480] =	vst v63  }
0xc3: {  	_ =	swait.ge [sflag:s23], $0x2000  }
0xc4: {  	[sflag:s23] =	ssyncset.done $0x0  }
0xc5: {  	s13 =	sadd.s32 $0x27C0, s12;
	[sflag:s23] =	ssyncadd.s32 $0xFFFFE000  }
0xc6: {  	[spmem:s3] =	stream.indirect.scatter.add.f32 [tilespmem:s28], [sflag:$0x4], $0x80, s13, s26, $0xb8;
	[tilespmem:$0x1F480] =	vst v63  }
0xc7: {  	_ =	swait.ge [sflag:s22], $0x2000  }
0xc8: {  	[sflag:s22] =	ssyncset.done $0x0  }
0xc9: {  	[sflag:s22] =	ssyncadd.s32 $0xFFFFE000  }
0xca: {  	[spmem:s4] =	stream.indirect.scatter.add.f32 [tilespmem:s1], [sflag:$0x4], $0x1, s13, s26, $0xb8;
	[tilespmem:$0x1F480] =	vst v63  }
0xcb: {  	_ =	swait.ge [sflag:s22], $0x40  }
0xcc: {  	[sflag:s22] =	ssyncset.done $0x0  }
0xcd: {  	s13 =	sadd.s32 $0x100, s12;
	[sflag:s22] =	ssyncadd.s32 $0xFFFFFFC0  }
0xce: {  	[tilespmem:s28], [sflag:$0x2] =	stream.indirect.gather [hbm4b:s0+s26], $0x80, s13, s26, $0xb8;
	[tilespmem:$0x1F480] =	vst v63  }
0xcf: {  	_ =	swait.ge [sflag:s25], $0x2000  }
0xd0: {  	[sflag:s25] =	ssyncset.done $0x0  }
0xd1: {  	s13 =	sadd.s32 $0x2800, s12;
	[sflag:s25] =	ssyncadd.s32 $0xFFFFE000  }
0xd2: {  	[spmem:s3] =	stream.indirect.scatter.add.f32 [tilespmem:s30], [sflag:$0x4], $0x80, s13, s26, $0xb8;
	[tilespmem:$0x1F480] =	vst v63  }
0xd3: {  	_ =	swait.ge [sflag:s22], $0x2000  }
0xd4: {  	[sflag:s22] =	ssyncset.done $0x0  }
.Ltmp1:
0xd5: {  	[sflag:s22] =	ssyncadd.s32 $0xFFFFE000;
	(pc) =	sbr.rel @p0 .LBB2_4-.Ltmp1, $4  }
0xd6: {  	[spmem:s4] =	stream.indirect.scatter.add.f32 [tilespmem:s1], [sflag:$0x4], $0x1, s13, s26, $0xb8;
	[tilespmem:$0x1F480] =	vst v63  }
0xd7: {  	_ =	swait.ge [sflag:s22], $0x40  }
0xd8: {  	[sflag:s22] =	ssyncset.done $0x0  }
0xd9: {  	s12 =	sadd.s32 $0x140, s12;
	[sflag:s22] =	ssyncadd.s32 $0xFFFFFFC0  }
0xda: {  	[tilespmem:s30], [sflag:$0x3] =	stream.indirect.gather [hbm4b:s0+s26], $0x80, s12, s26, $0xb8;
	[tilespmem:$0x1F480] =	vst v63  }
0xdb: {  	_ =	swait.ge [sflag:s31], $0x2000  }
0xdc: {  	[sflag:s31] =	ssyncset.done $0x0  }
0xdd: {  	[sflag:s31] =	ssyncadd.s32 $0xFFFFE000  }
0xde: {  	[spmem:s3] =	stream.indirect.scatter.add.f32 [tilespmem:s24], [sflag:$0x4], $0x80, s29, s26, $0xb8;
	[tilespmem:$0x1F480] =	vst v63  }
0xdf: {  	_ =	swait.ge [sflag:s22], $0x2000  }
0xe0: {  	[sflag:s22] =	ssyncset.done $0x0  }
0xe1: {  	[sflag:s22] =	ssyncadd.s32 $0xFFFFE000  }
0xe2: {  	[spmem:s4] =	stream.indirect.scatter.add.f32 [tilespmem:s1], [sflag:$0x4], $0x1, s29, s26, $0xb8;
	[tilespmem:$0x1F480] =	vst v63  }
0xe3: {  	_ =	swait.ge [sflag:s22], $0x40  }
0xe4: {  	[sflag:s22] =	ssyncset.done $0x0  }
0xe5: {  	[sflag:s22] =	ssyncadd.s32 $0xFFFFFFC0  }
0xe6: {  	_ =	swait.ge [sflag:s23], $0x2000  }
0xe7: {  	[sflag:s23] =	ssyncset.done $0x0  }
0xe8: {  	[sflag:s23] =	ssyncadd.s32 $0xFFFFE000  }
0xe9: {  	[spmem:s3] =	stream.indirect.scatter.add.f32 [tilespmem:s28], [sflag:$0x4], $0x80, s2, s26, $0xb8;
	[tilespmem:$0x1F480] =	vst v63  }
0xea: {  	_ =	swait.ge [sflag:s22], $0x2000  }
0xeb: {  	[sflag:s22] =	ssyncset.done $0x0  }
0xec: {  	[sflag:s22] =	ssyncadd.s32 $0xFFFFE000  }
0xed: {  	[spmem:s4] =	stream.indirect.scatter.add.f32 [tilespmem:s1], [sflag:$0x4], $0x1, s2, s26, $0xb8;
	[tilespmem:$0x1F480] =	vst v63  }
0xee: {  	_ =	swait.ge [sflag:s22], $0x40  }
0xef: {  	[sflag:s22] =	ssyncset.done $0x0  }
0xf0: {  	[sflag:s22] =	ssyncadd.s32 $0xFFFFFFC0  }
0xf1: {  	_ =	swait.ge [sflag:s25], $0x2000  }
0xf2: {  	[sflag:s25] =	ssyncset.done $0x0  }
0xf3: {  	[sflag:s25] =	ssyncadd.s32 $0xFFFFE000  }
0xf4: {  	[spmem:s3] =	stream.indirect.scatter.add.f32 [tilespmem:s30], [sflag:$0x4], $0x80, s5, s26, $0xb8;
	[tilespmem:$0x1F480] =	vst v63  }
0xf5: {  	_ =	swait.ge [sflag:s22], $0x2000  }
0xf6: {  	[sflag:s22] =	ssyncset.done $0x0  }
0xf7: {  	[sflag:s22] =	ssyncadd.s32 $0xFFFFE000  }
0xf8: {  	[spmem:s4] =	stream.indirect.scatter.add.f32 [tilespmem:s1], [sflag:$0x4], $0x1, s5, s26, $0xb8;
	[tilespmem:$0x1F480] =	vst v63  }
0xf9: {  	_ =	swait.ge [sflag:s22], $0x40  }
0xfa: {  	[sflag:s22] =	ssyncset.done $0x0  }
0xfb: {  	s11 =	simm.s32 $0x2700;
	[sflag:s22] =	ssyncadd.s32 $0xFFFFFFC0  }
0xfc: {  	[tilespmem:s24], [sflag:$0x4] =	stream.indirect.gather [hbm4b:s0+s8], $0x80, s11, s8, $0xb8;
	[tilespmem:$0x1F480] =	vst v63  }
0xfd: {  	_ =	swait.ge [sflag:s22], $0x800  }
0xfe: {  	[sflag:s22] =	ssyncset.done $0x0  }
0xff: {  	[sflag:s22] =	ssyncadd.s32 $0xFFFFF800  }
0x100: {  	[spmem:s3] =	stream.indirect.scatter.add.f32 [tilespmem:s24], [sflag:$0x4], $0x80, s9, s8, $0xb8;
	[tilespmem:$0x1F480] =	vst v63  }
0x101: {  	_ =	swait.ge [sflag:s22], $0x800  }
0x102: {  	[sflag:s22] =	ssyncset.done $0x0  }
0x103: {  	[sflag:s22] =	ssyncadd.s32 $0xFFFFF800  }
0x104: {  	[spmem:s4] =	stream.indirect.scatter.add.f32 [tilespmem:s1], [sflag:$0x4], $0x1, s9, s8, $0xb8;
	[tilespmem:$0x1F480] =	vst v63  }
0x105: {  	_ =	swait.ge [sflag:s22], $0x10  }
0x106: {  	s12 =	stileid.u32;
	[sflag:s22] =	ssyncset.done $0x0  }
0x107: {  	s11 =	sshll.u32 s12, $0x6;
	[sflag:s22] =	ssyncadd.s32 $0xFFFFFFF0  }
0x108: {  	s13 =	sshrl.u32 s7, $0x3;
	s11 =	sor.u32 $0x1C04, s11;
	[bflag:$0x0] =	sbarrier.arrive $0xFFFF  }
0x109: {  	[hbm:s19], [sflag:s11] =	dma.local [spmem:s13], $0x2800  }
0x10a: {  	s10 =	sadd.s32 $0x1, s10;
	_ =	swait.ge [sflag:s22], $0x2800  }
0x10b: {  	p0 =	sne.s32 s10, s21;
	s12 =	sshrl.u32 s18, $0x3;
	[sflag:s22] =	ssyncset.done $0x0  }
.Ltmp2:
0x10c: {  	s13 =	simm.s32 $0x20;
	[sflag:s22] =	ssyncadd.s32 $0xFFFFD800;
	(pc) =	sbr.rel @p0 .LBB2_1-.Ltmp2, $4  }
0x10d: {  	[hbm:s20@s13], [sflag:s11] =	dma.strided [spmem:s12@s8], $0x50, s31, $0x10   }
0x10e: {  	_ =	swait.ge [sflag:s22], $0x50  }
0x10f: {  	[sflag:s22] =	ssyncset.done $0x0  }
0x110: {  	[sflag:s22] =	ssyncadd.s32 $0xFFFFFFB0  }
0x111: {  	_ =	sfence.sel $0x180000  }
0x112: {  	[bflag:$0x0] =	sbarrier.arrive $0xFFFF  }
0x113: {  	_ =	strace $0x90000047  }
0x114: {  	s0 =	stileid.u32;
	[bflag:$0x2] =	sbarrier.arrive $0xFFFF  }
0x115: {  	p0 =	sne.s32 s0, $0x0;
	s0 =	rddreg [dreg:$0x5]  }
0x116: {  	s0 =	sadd.s32 @!p0 $0x100000, s0  }
0x117: {  	[sflag:s0] =	ssyncadd.tile.s32 @!p0 $0x1;
	_ =	shalt  }
.Lfunc_end2:
_tile_overlayer_lowered:
.L_overlay_start_2:
0x118: {  	(tag) =	ssettag $0x2  }
0x119: {  	s0 =	rddreg [dreg:$0x0];
	s2 =	stileid.u32  }
0x11a: {  	s1 =	rddreg [dreg:$0x1];
	p0 =	sne.s32 s2, $0x0  }
0x11b: {  	s3 =	rddreg [dreg:$0x2];
	[bflag:$0x3] =	sbarrier.arrive $0xFFFF;
	s2 =	simm.s32 @!p0 $0x1C04  }
0x11c: {  	[timem:s3], [sflag:s2] =	dma.local @!p0 [hbm:s0], s1  }
0x11d: {  	s0 =	simm.s32 @!p0 $0x4  }
0x11e: {  	_ =	swait.ge @!p0 [sflag:s0], s1  }
0x11f: {  	s1 =	ssub.s32 @!p0 $0x0, s1;
	[sflag:s0] =	ssyncset.done @!p0 $0x0  }
0x120: {  	[sflag:s0] =	ssyncadd.s32 @!p0 s1  }
0x121: {  	[bflag:$0x3] =	sbarrier.arrive $0xFFFF  }
0x122: {  	_ =	shalt  }

</sc_bundles>
